<compile_context>
chip_gen: v7x
topology: tpu7x:2x2x1
jax: 0.10.2.dev20260603
libtpu: 0.0.44.dev20260713+nightly
codegen_flags: <defaults>
</compile_context>

<pallas_src>
import jax
import jax.numpy as jnp
from jax import lax
from jax.experimental import pallas as pl
from jax.experimental.pallas import tpu as pltpu
from jax.experimental.pallas import tpu_sc as plsc

B, S, D, E = 4, 8192, 768, 64
R = D // 4
RPAD = 256

CHUNK = 4096
NSTEPS = (B * S) // CHUNK
CHUNKS_PER_BATCH = S // CHUNK

_INV_SQRT2 = 0.7071067811865476
_LANES = 16


def _router_kernel(x_ref, w_ref, c_ref, w2t_ref, b2s_ref, wrt_ref, br_ref,
                   aux_ref, logits_ref, acc_ref):
    i = pl.program_id(0)
    b = i // CHUNKS_PER_BATCH

    xb = x_ref[:]
    sq = jnp.sum(xb * xb, axis=1, keepdims=True) * (1.0 / D)
    pa = jnp.dot(xb, w_ref[:], preferred_element_type=jnp.float32)
    mu = pa[:, R:R + 1]
    inv = lax.rsqrt(sq - mu * mu + 1e-5)
    h1 = inv * pa[:, :R] + c_ref[:]
    g = 0.5 * h1 * (1.0 + lax.erf(h1 * _INV_SQRT2))
    cs = jnp.sum(g, axis=0, keepdims=True)

    @pl.when(i == 0)
    def _init():
        acc_ref[:] = jnp.zeros_like(acc_ref)

    rows = lax.broadcasted_iota(jnp.int32, (B, R), 0)
    acc_ref[:] += jnp.where(rows == b, cs, 0.0)

    @pl.when(i == NSTEPS - 1)
    def _tail():
        red = acc_ref[:]
        br2 = jnp.dot(red, w2t_ref[:],
                      preferred_element_type=jnp.float32) + b2s_ref[:]
        logits = jnp.dot(br2, wrt_ref[:],
                         preferred_element_type=jnp.float32) + br_ref[:]
        logits_ref[:] = logits
        m = jnp.max(logits, axis=1, keepdims=True)
        bce = jnp.maximum(logits, 0.0) + jnp.log1p(jnp.exp(-jnp.abs(logits)))
        aux_ref[:] = ((jnp.sum(bce, axis=(0, 1), keepdims=True)
                       - jnp.sum(m, axis=(0, 1), keepdims=True))
                      * (1.0 / (B * E)))


def _mode_kernel(logits_hbm, out_hbm, lv, ov):
    wid = lax.axis_index("s") * 2 + lax.axis_index("c")
    lanes = lax.broadcasted_iota(jnp.int32, (_LANES,), 0)

    dnums = lax.GatherDimensionNumbers(
        offset_dims=(), collapsed_slice_dims=(0,), start_index_map=(0,))

    def shuf(v, perm):
        return lax.gather(v, perm[:, None], dnums, (1,),
                          mode=lax.GatherScatterMode.PROMISE_IN_BOUNDS)

    def allmax(v):
        for sh in (1, 2, 4, 8):
            v = jnp.maximum(v, shuf(v, lanes ^ sh))
        return v

    def allmin(v):
        for sh in (1, 2, 4, 8):
            v = jnp.minimum(v, shuf(v, lanes ^ sh))
        return v

    pltpu.sync_copy(logits_hbm, lv)
    big = jnp.full((_LANES,), 9999, jnp.int32)
    idxs = []
    for r in range(B):
        chunks = [lv[pl.ds(r * E + cc * _LANES, _LANES)]
                  for cc in range(E // _LANES)]
        m = chunks[0]
        for v in chunks[1:]:
            m = jnp.maximum(m, v)
        mrow = allmax(m)
        hit = big
        for cc in range(E // _LANES):
            hit = jnp.minimum(hit, jnp.where(chunks[cc] == mrow,
                                             lanes + cc * _LANES, big))
        idxs.append(allmin(hit))
    zero = jnp.zeros((_LANES,), jnp.int32)
    one = jnp.full((_LANES,), 1, jnp.int32)
    cnts = []
    for a in range(B):
        cnt = zero
        for o in range(B):
            cnt = cnt + jnp.where(idxs[a] == idxs[o], one, zero)
        cnts.append(cnt)
    best_i, best_c = idxs[0], cnts[0]
    for a in range(1, B):
        take = (cnts[a] > best_c) | ((cnts[a] == best_c)
                                     & (idxs[a] < best_i))
        best_i = jnp.where(take, idxs[a], best_i)
        best_c = jnp.where(take, cnts[a], best_c)
    ov[:] = best_i

    @pl.when(wid == 0)
    def _():
        pltpu.sync_copy(ov, out_hbm)


_mode_call = pl.kernel(
    _mode_kernel,
    mesh=plsc.VectorSubcoreMesh(core_axis_name="c", subcore_axis_name="s"),
    out_type=jax.ShapeDtypeStruct((_LANES,), jnp.int32),
    scratch_types=[pltpu.VMEM((B * E,), jnp.float32),
                   pltpu.VMEM((_LANES,), jnp.int32)],
)


@jax.jit
def kernel(hidden_states, ln_g, ln_b, w1, b1, w2, b2, wr, br):
    xf = hidden_states.reshape(B * S, D)
    wg = (w1 * ln_g).T
    s = ln_g @ w1.T
    wc = wg - jnp.full((D, 1), 1.0 / D) * s[None, :]
    wa = jnp.concatenate(
        [wc, jnp.full((D, 1), 1.0 / D, jnp.float32),
         jnp.zeros((D, RPAD - R - 1), jnp.float32)], axis=1)
    c = (ln_b @ w1.T + b1).reshape(1, R)
    w2t = w2.T
    b2s = (S * b2).reshape(1, R)
    wrt = wr.T
    brr = br.reshape(1, E)

    full = lambda shape: pl.BlockSpec(shape, lambda i: (0, 0))
    aux, logits = pl.pallas_call(
        _router_kernel,
        grid=(NSTEPS,),
        in_specs=[
            pl.BlockSpec((CHUNK, D), lambda i: (i, 0)),
            full((D, RPAD)), full((1, R)), full((R, R)),
            full((1, R)), full((R, E)), full((1, E)),
        ],
        out_specs=[full((1, 1)), full((B, E))],
        out_shape=[
            jax.ShapeDtypeStruct((1, 1), jnp.float32),
            jax.ShapeDtypeStruct((B, E), jnp.float32),
        ],
        scratch_shapes=[pltpu.VMEM((B, R), jnp.float32)],
    )(xf, wa, c, w2t, b2s, wrt, brr)
    next_idx = _mode_call(logits.reshape(B * E))
    return aux[0, 0], next_idx[0]

# --- scband reference (transcript-rebuilt; emitter-appended) ---
"""Pipeline reference for scband-mixture-router-52707838657050 (READ-ONLY COPY).

The authoritative reference and input builder live on the scoring server;
editing this copy changes nothing except your own understanding.
"""

import jax, jax.numpy as jnp
import numpy as np

B, S, D, E = 4, 8192, 768, 64
R = D // 4  # reduced_dim = 192


def setup_inputs(seed: int = 0) -> dict:
    key = jax.random.key(seed)
    ks = jax.random.split(key, 6)
    hidden_states = jax.random.normal(ks[0], (B, S, D), dtype=jnp.float32)
    ln_g = jnp.ones((D,), dtype=jnp.float32)
    ln_b = jnp.zeros((D,), dtype=jnp.float32)
    w1 = jax.random.normal(ks[1], (R, D), dtype=jnp.float32) * (1.0 / np.sqrt(D))
    b1 = jnp.zeros((R,), dtype=jnp.float32)
    w2 = jax.random.normal(ks[2], (R, R), dtype=jnp.float32) * (1.0 / np.sqrt(R))
    b2 = jnp.zeros((R,), dtype=jnp.float32)
    wr = jax.random.normal(ks[3], (E, R), dtype=jnp.float32) * (1.0 / np.sqrt(R))
    br = jnp.zeros((E,), dtype=jnp.float32)
    return {"hidden_states": hidden_states, "ln_g": ln_g, "ln_b": ln_b,
            "w1": w1, "b1": b1, "w2": w2, "b2": b2, "wr": wr, "br": br}


def reference(hidden_states, ln_g, ln_b, w1, b1, w2, b2, wr, br):
    # self.transform = LayerNorm -> Linear(D, R) -> GELU -> Linear(R, R)
    mu = jnp.mean(hidden_states, axis=-1, keepdims=True)
    var = jnp.mean((hidden_states - mu) ** 2, axis=-1, keepdims=True)
    h = (hidden_states - mu) / jnp.sqrt(var + 1e-5) * ln_g + ln_b
    h = h @ w1.T + b1
    h = jax.nn.gelu(h, approximate=False)
    h = h @ w2.T + b2
    # batch_reduced = transformed.sum(dim=1)
    batch_reduced = jnp.sum(h, axis=1)  # [B, R]
    router_logits = batch_reduced @ wr.T + br  # [B, E]
    # topk k=1 -> argmax per row
    expert_indices = jnp.argmax(router_logits, axis=-1)  # [B]
    # router_targets.scatter_(1, expert_indices, 1.0)
    router_targets = jnp.zeros_like(router_logits).at[
        jnp.arange(router_logits.shape[0]), expert_indices].set(1.0)
    # F.binary_cross_entropy_with_logits (mean reduction)
    x = router_logits
    t = router_targets
    bce = jnp.maximum(x, 0.0) - x * t + jnp.log1p(jnp.exp(-jnp.abs(x)))
    aux_loss = jnp.mean(bce)
    # expert_indices.mode(dim=0): most frequent index (smallest on ties)
    counts = jnp.bincount(expert_indices, length=E)
    next_idx = jnp.argmax(counts)
    return (aux_loss, next_idx)

if __name__ == "__main__":
    import jax
    _d = setup_inputs()
    print(jax.jit(kernel)(*tuple(_d.values())))

</pallas_src>

<mosaic_0001>
#map = affine_map<(d0, d1) -> (0)>
module attributes {stable_mosaic.version = 14 : i64} {
  func.func @_mode_kernel(%arg0: i32, %arg1: i32, %arg2: memref<256xf32, #tpu.memory_space<hbm>>, %arg3: memref<16xi32, #tpu.memory_space<hbm>>, %arg4: memref<256xf32, #tpu.memory_space<vmem>>, %arg5: memref<16xi32, #tpu.memory_space<vmem>>) attributes {dimension_semantics = [#tpu.dimension_semantics<core_parallel>, #tpu.dimension_semantics<subcore_parallel>], iteration_bounds = array<i64: 2, 16>, scalar_prefetch = 0 : i64, scratch_operands = 2 : i64, tpu.core_type = #tpu.core_type<sc_vector_subcore>, window_params = [{transform_indices = #map}, {transform_indices = #map}]} {
    %mul3A = arith.constant 2 : i32
    %mul3A_0 = arith.muli %arg1, %mul3A : i32
    %add3A = arith.addi %mul3A_0, %arg0 : i32
    %iota3A = tpu.iota {dimensions = array<i32: 0>} : vector<16xi32>
    "tpu.region"() ({
      %run_scoped3A = tpu.sem_alloc : memref<!tpu.dma_semaphore, #tpu.memory_space<semaphore_mem>>
      tpu.enqueue_dma source(%arg2 : memref<256xf32, #tpu.memory_space<hbm>>) target(%arg4 : memref<256xf32, #tpu.memory_space<vmem>>) target_semaphore(%run_scoped3A : memref<!tpu.dma_semaphore, #tpu.memory_space<semaphore_mem>>)
      tpu.wait_dma2 semaphore(%run_scoped3A : memref<!tpu.dma_semaphore, #tpu.memory_space<semaphore_mem>>) src(%arg2 : memref<256xf32, #tpu.memory_space<hbm>>) dst(%arg4 : memref<256xf32, #tpu.memory_space<vmem>>)
      tpu.yield
    }) : () -> ()
    %broadcast_in_dim3A = arith.constant 9999 : i32
    %broadcast_in_dim3A_1 = vector.broadcast %broadcast_in_dim3A : i32 to vector<16xi32>
    %get3A = arith.constant 0 : index
    %get3A_2 = tpu.vector_load %arg4[%get3A] {strides = array<i32>} : memref<256xf32, #tpu.memory_space<vmem>>, vector<16xf32>,
    %get3A_3 = vector.shape_cast %get3A_2 : vector<16xf32> to vector<16xf32>
    %get3A_4 = arith.constant 16 : index
    %get3A_5 = tpu.vector_load %arg4[%get3A_4] {strides = array<i32>} : memref<256xf32, #tpu.memory_space<vmem>>, vector<16xf32>,
    %get3A_6 = vector.shape_cast %get3A_5 : vector<16xf32> to vector<16xf32>
    %get3A_7 = arith.constant 32 : index
    %get3A_8 = tpu.vector_load %arg4[%get3A_7] {strides = array<i32>} : memref<256xf32, #tpu.memory_space<vmem>>, vector<16xf32>,
    %get3A_9 = vector.shape_cast %get3A_8 : vector<16xf32> to vector<16xf32>
    %get3A_10 = arith.constant 48 : index
    %get3A_11 = tpu.vector_load %arg4[%get3A_10] {strides = array<i32>} : memref<256xf32, #tpu.memory_space<vmem>>, vector<16xf32>,
    %get3A_12 = vector.shape_cast %get3A_11 : vector<16xf32> to vector<16xf32>
    %max3A = arith.maximumf %get3A_3, %get3A_6 : vector<16xf32>
    %max3A_13 = arith.maximumf %max3A, %get3A_9 : vector<16xf32>
    %max3A_14 = arith.maximumf %max3A_13, %get3A_12 : vector<16xf32>
    %xor3A = arith.constant 1 : i32
    %xor3A_15 = vector.broadcast %xor3A : i32 to vector<16xi32>
    %xor3A_16 = arith.xori %iota3A, %xor3A_15 : vector<16xi32>
    %broadcast_in_dim3A_17 = vector.shape_cast %xor3A_16 : vector<16xi32> to vector<16x1xi32>
    %gather3A = vector.shape_cast %broadcast_in_dim3A_17 : vector<16x1xi32> to vector<16xi32>
    %gather3A_18 = tpu.dynamic_gather %max3A_14[%gather3A] in [0] : vector<16xf32>, vector<16xi32> -> vector<16xf32>
    %max3A_19 = arith.maximumf %max3A_14, %gather3A_18 : vector<16xf32>
    %xor3A_20 = arith.constant 2 : i32
    %xor3A_21 = vector.broadcast %xor3A_20 : i32 to vector<16xi32>
    %xor3A_22 = arith.xori %iota3A, %xor3A_21 : vector<16xi32>
    %broadcast_in_dim3A_23 = vector.shape_cast %xor3A_22 : vector<16xi32> to vector<16x1xi32>
    %gather3A_24 = vector.shape_cast %broadcast_in_dim3A_23 : vector<16x1xi32> to vector<16xi32>
    %gather3A_25 = tpu.dynamic_gather %max3A_19[%gather3A_24] in [0] : vector<16xf32>, vector<16xi32> -> vector<16xf32>
    %max3A_26 = arith.maximumf %max3A_19, %gather3A_25 : vector<16xf32>
    %xor3A_27 = arith.constant 4 : i32
    %xor3A_28 = vector.broadcast %xor3A_27 : i32 to vector<16xi32>
    %xor3A_29 = arith.xori %iota3A, %xor3A_28 : vector<16xi32>
    %broadcast_in_dim3A_30 = vector.shape_cast %xor3A_29 : vector<16xi32> to vector<16x1xi32>
    %gather3A_31 = vector.shape_cast %broadcast_in_dim3A_30 : vector<16x1xi32> to vector<16xi32>
    %gather3A_32 = tpu.dynamic_gather %max3A_26[%gather3A_31] in [0] : vector<16xf32>, vector<16xi32> -> vector<16xf32>
    %max3A_33 = arith.maximumf %max3A_26, %gather3A_32 : vector<16xf32>
    %xor3A_34 = arith.constant 8 : i32
    %xor3A_35 = vector.broadcast %xor3A_34 : i32 to vector<16xi32>
    %xor3A_36 = arith.xori %iota3A, %xor3A_35 : vector<16xi32>
    %broadcast_in_dim3A_37 = vector.shape_cast %xor3A_36 : vector<16xi32> to vector<16x1xi32>
    %gather3A_38 = vector.shape_cast %broadcast_in_dim3A_37 : vector<16x1xi32> to vector<16xi32>
    %gather3A_39 = tpu.dynamic_gather %max3A_33[%gather3A_38] in [0] : vector<16xf32>, vector<16xi32> -> vector<16xf32>
    %max3A_40 = arith.maximumf %max3A_33, %gather3A_39 : vector<16xf32>
    %eq3A = arith.cmpf oeq, %get3A_3, %max3A_40 : vector<16xf32>
    %add3A_41 = arith.constant 0 : i32
    %add3A_42 = vector.broadcast %add3A_41 : i32 to vector<16xi32>
    %add3A_43 = arith.addi %iota3A, %add3A_42 : vector<16xi32>
    %select_n3A = arith.select %eq3A, %add3A_43, %broadcast_in_dim3A_1 : vector<16xi1>, vector<16xi32>
    %min3A = arith.minsi %broadcast_in_dim3A_1, %select_n3A : vector<16xi32>
    %eq3A_44 = arith.cmpf oeq, %get3A_6, %max3A_40 : vector<16xf32>
    %add3A_45 = arith.constant 16 : i32
    %add3A_46 = vector.broadcast %add3A_45 : i32 to vector<16xi32>
    %add3A_47 = arith.addi %iota3A, %add3A_46 : vector<16xi32>
    %select_n3A_48 = arith.select %eq3A_44, %add3A_47, %broadcast_in_dim3A_1 : vector<16xi1>, vector<16xi32>
    %min3A_49 = arith.minsi %min3A, %select_n3A_48 : vector<16xi32>
    %eq3A_50 = arith.cmpf oeq, %get3A_9, %max3A_40 : vector<16xf32>
    %add3A_51 = arith.constant 32 : i32
    %add3A_52 = vector.broadcast %add3A_51 : i32 to vector<16xi32>
    %add3A_53 = arith.addi %iota3A, %add3A_52 : vector<16xi32>
    %select_n3A_54 = arith.select %eq3A_50, %add3A_53, %broadcast_in_dim3A_1 : vector<16xi1>, vector<16xi32>
    %min3A_55 = arith.minsi %min3A_49, %select_n3A_54 : vector<16xi32>
    %eq3A_56 = arith.cmpf oeq, %get3A_12, %max3A_40 : vector<16xf32>
    %add3A_57 = arith.constant 48 : i32
    %add3A_58 = vector.broadcast %add3A_57 : i32 to vector<16xi32>
    %add3A_59 = arith.addi %iota3A, %add3A_58 : vector<16xi32>
    %select_n3A_60 = arith.select %eq3A_56, %add3A_59, %broadcast_in_dim3A_1 : vector<16xi1>, vector<16xi32>
    %min3A_61 = arith.minsi %min3A_55, %select_n3A_60 : vector<16xi32>
    %xor3A_62 = arith.constant 1 : i32
    %xor3A_63 = vector.broadcast %xor3A_62 : i32 to vector<16xi32>
    %xor3A_64 = arith.xori %iota3A, %xor3A_63 : vector<16xi32>
    %broadcast_in_dim3A_65 = vector.shape_cast %xor3A_64 : vector<16xi32> to vector<16x1xi32>
    %gather3A_66 = vector.shape_cast %broadcast_in_dim3A_65 : vector<16x1xi32> to vector<16xi32>
    %gather3A_67 = tpu.dynamic_gather %min3A_61[%gather3A_66] in [0] : vector<16xi32>, vector<16xi32> -> vector<16xi32>
    %min3A_68 = arith.minsi %min3A_61, %gather3A_67 : vector<16xi32>
    %xor3A_69 = arith.constant 2 : i32
    %xor3A_70 = vector.broadcast %xor3A_69 : i32 to vector<16xi32>
    %xor3A_71 = arith.xori %iota3A, %xor3A_70 : vector<16xi32>
    %broadcast_in_dim3A_72 = vector.shape_cast %xor3A_71 : vector<16xi32> to vector<16x1xi32>
    %gather3A_73 = vector.shape_cast %broadcast_in_dim3A_72 : vector<16x1xi32> to vector<16xi32>
    %gather3A_74 = tpu.dynamic_gather %min3A_68[%gather3A_73] in [0] : vector<16xi32>, vector<16xi32> -> vector<16xi32>
    %min3A_75 = arith.minsi %min3A_68, %gather3A_74 : vector<16xi32>
    %xor3A_76 = arith.constant 4 : i32
    %xor3A_77 = vector.broadcast %xor3A_76 : i32 to vector<16xi32>
    %xor3A_78 = arith.xori %iota3A, %xor3A_77 : vector<16xi32>
    %broadcast_in_dim3A_79 = vector.shape_cast %xor3A_78 : vector<16xi32> to vector<16x1xi32>
    %gather3A_80 = vector.shape_cast %broadcast_in_dim3A_79 : vector<16x1xi32> to vector<16xi32>
    %gather3A_81 = tpu.dynamic_gather %min3A_75[%gather3A_80] in [0] : vector<16xi32>, vector<16xi32> -> vector<16xi32>
    %min3A_82 = arith.minsi %min3A_75, %gather3A_81 : vector<16xi32>
    %xor3A_83 = arith.constant 8 : i32
    %xor3A_84 = vector.broadcast %xor3A_83 : i32 to vector<16xi32>
    %xor3A_85 = arith.xori %iota3A, %xor3A_84 : vector<16xi32>
    %broadcast_in_dim3A_86 = vector.shape_cast %xor3A_85 : vector<16xi32> to vector<16x1xi32>
    %gather3A_87 = vector.shape_cast %broadcast_in_dim3A_86 : vector<16x1xi32> to vector<16xi32>
    %gather3A_88 = tpu.dynamic_gather %min3A_82[%gather3A_87] in [0] : vector<16xi32>, vector<16xi32> -> vector<16xi32>
    %min3A_89 = arith.minsi %min3A_82, %gather3A_88 : vector<16xi32>
    %get3A_90 = arith.constant 64 : index
    %get3A_91 = tpu.vector_load %arg4[%get3A_90] {strides = array<i32>} : memref<256xf32, #tpu.memory_space<vmem>>, vector<16xf32>,
    %get3A_92 = vector.shape_cast %get3A_91 : vector<16xf32> to vector<16xf32>
    %get3A_93 = arith.constant 80 : index
    %get3A_94 = tpu.vector_load %arg4[%get3A_93] {strides = array<i32>} : memref<256xf32, #tpu.memory_space<vmem>>, vector<16xf32>,
    %get3A_95 = vector.shape_cast %get3A_94 : vector<16xf32> to vector<16xf32>
    %get3A_96 = arith.constant 96 : index
    %get3A_97 = tpu.vector_load %arg4[%get3A_96] {strides = array<i32>} : memref<256xf32, #tpu.memory_space<vmem>>, vector<16xf32>,
    %get3A_98 = vector.shape_cast %get3A_97 : vector<16xf32> to vector<16xf32>
    %get3A_99 = arith.constant 112 : index
    %get3A_100 = tpu.vector_load %arg4[%get3A_99] {strides = array<i32>} : memref<256xf32, #tpu.memory_space<vmem>>, vector<16xf32>,
    %get3A_101 = vector.shape_cast %get3A_100 : vector<16xf32> to vector<16xf32>
    %max3A_102 = arith.maximumf %get3A_92, %get3A_95 : vector<16xf32>
    %max3A_103 = arith.maximumf %max3A_102, %get3A_98 : vector<16xf32>
    %max3A_104 = arith.maximumf %max3A_103, %get3A_101 : vector<16xf32>
    %xor3A_105 = arith.constant 1 : i32
    %xor3A_106 = vector.broadcast %xor3A_105 : i32 to vector<16xi32>
    %xor3A_107 = arith.xori %iota3A, %xor3A_106 : vector<16xi32>
    %broadcast_in_dim3A_108 = vector.shape_cast %xor3A_107 : vector<16xi32> to vector<16x1xi32>
    %gather3A_109 = vector.shape_cast %broadcast_in_dim3A_108 : vector<16x1xi32> to vector<16xi32>
    %gather3A_110 = tpu.dynamic_gather %max3A_104[%gather3A_109] in [0] : vector<16xf32>, vector<16xi32> -> vector<16xf32>
    %max3A_111 = arith.maximumf %max3A_104, %gather3A_110 : vector<16xf32>
    %xor3A_112 = arith.constant 2 : i32
    %xor3A_113 = vector.broadcast %xor3A_112 : i32 to vector<16xi32>
    %xor3A_114 = arith.xori %iota3A, %xor3A_113 : vector<16xi32>
    %broadcast_in_dim3A_115 = vector.shape_cast %xor3A_114 : vector<16xi32> to vector<16x1xi32>
    %gather3A_116 = vector.shape_cast %broadcast_in_dim3A_115 : vector<16x1xi32> to vector<16xi32>
    %gather3A_117 = tpu.dynamic_gather %max3A_111[%gather3A_116] in [0] : vector<16xf32>, vector<16xi32> -> vector<16xf32>
    %max3A_118 = arith.maximumf %max3A_111, %gather3A_117 : vector<16xf32>
    %xor3A_119 = arith.constant 4 : i32
    %xor3A_120 = vector.broadcast %xor3A_119 : i32 to vector<16xi32>
    %xor3A_121 = arith.xori %iota3A, %xor3A_120 : vector<16xi32>
    %broadcast_in_dim3A_122 = vector.shape_cast %xor3A_121 : vector<16xi32> to vector<16x1xi32>
    %gather3A_123 = vector.shape_cast %broadcast_in_dim3A_122 : vector<16x1xi32> to vector<16xi32>
    %gather3A_124 = tpu.dynamic_gather %max3A_118[%gather3A_123] in [0] : vector<16xf32>, vector<16xi32> -> vector<16xf32>
    %max3A_125 = arith.maximumf %max3A_118, %gather3A_124 : vector<16xf32>
    %xor3A_126 = arith.constant 8 : i32
    %xor3A_127 = vector.broadcast %xor3A_126 : i32 to vector<16xi32>
    %xor3A_128 = arith.xori %iota3A, %xor3A_127 : vector<16xi32>
    %broadcast_in_dim3A_129 = vector.shape_cast %xor3A_128 : vector<16xi32> to vector<16x1xi32>
    %gather3A_130 = vector.shape_cast %broadcast_in_dim3A_129 : vector<16x1xi32> to vector<16xi32>
    %gather3A_131 = tpu.dynamic_gather %max3A_125[%gather3A_130] in [0] : vector<16xf32>, vector<16xi32> -> vector<16xf32>
    %max3A_132 = arith.maximumf %max3A_125, %gather3A_131 : vector<16xf32>
    %eq3A_133 = arith.cmpf oeq, %get3A_92, %max3A_132 : vector<16xf32>
    %add3A_134 = arith.constant 0 : i32
    %add3A_135 = vector.broadcast %add3A_134 : i32 to vector<16xi32>
    %add3A_136 = arith.addi %iota3A, %add3A_135 : vector<16xi32>
    %select_n3A_137 = arith.select %eq3A_133, %add3A_136, %broadcast_in_dim3A_1 : vector<16xi1>, vector<16xi32>
    %min3A_138 = arith.minsi %broadcast_in_dim3A_1, %select_n3A_137 : vector<16xi32>
    %eq3A_139 = arith.cmpf oeq, %get3A_95, %max3A_132 : vector<16xf32>
    %add3A_140 = arith.constant 16 : i32
    %add3A_141 = vector.broadcast %add3A_140 : i32 to vector<16xi32>
    %add3A_142 = arith.addi %iota3A, %add3A_141 : vector<16xi32>
    %select_n3A_143 = arith.select %eq3A_139, %add3A_142, %broadcast_in_dim3A_1 : vector<16xi1>, vector<16xi32>
    %min3A_144 = arith.minsi %min3A_138, %select_n3A_143 : vector<16xi32>
    %eq3A_145 = arith.cmpf oeq, %get3A_98, %max3A_132 : vector<16xf32>
    %add3A_146 = arith.constant 32 : i32
    %add3A_147 = vector.broadcast %add3A_146 : i32 to vector<16xi32>
    %add3A_148 = arith.addi %iota3A, %add3A_147 : vector<16xi32>
    %select_n3A_149 = arith.select %eq3A_145, %add3A_148, %broadcast_in_dim3A_1 : vector<16xi1>, vector<16xi32>
    %min3A_150 = arith.minsi %min3A_144, %select_n3A_149 : vector<16xi32>
    %eq3A_151 = arith.cmpf oeq, %get3A_101, %max3A_132 : vector<16xf32>
    %add3A_152 = arith.constant 48 : i32
    %add3A_153 = vector.broadcast %add3A_152 : i32 to vector<16xi32>
    %add3A_154 = arith.addi %iota3A, %add3A_153 : vector<16xi32>
    %select_n3A_155 = arith.select %eq3A_151, %add3A_154, %broadcast_in_dim3A_1 : vector<16xi1>, vector<16xi32>
    %min3A_156 = arith.minsi %min3A_150, %select_n3A_155 : vector<16xi32>
    %xor3A_157 = arith.constant 1 : i32
    %xor3A_158 = vector.broadcast %xor3A_157 : i32 to vector<16xi32>
    %xor3A_159 = arith.xori %iota3A, %xor3A_158 : vector<16xi32>
    %broadcast_in_dim3A_160 = vector.shape_cast %xor3A_159 : vector<16xi32> to vector<16x1xi32>
    %gather3A_161 = vector.shape_cast %broadcast_in_dim3A_160 : vector<16x1xi32> to vector<16xi32>
    %gather3A_162 = tpu.dynamic_gather %min3A_156[%gather3A_161] in [0] : vector<16xi32>, vector<16xi32> -> vector<16xi32>
    %min3A_163 = arith.minsi %min3A_156, %gather3A_162 : vector<16xi32>
    %xor3A_164 = arith.constant 2 : i32
    %xor3A_165 = vector.broadcast %xor3A_164 : i32 to vector<16xi32>
    %xor3A_166 = arith.xori %iota3A, %xor3A_165 : vector<16xi32>
    %broadcast_in_dim3A_167 = vector.shape_cast %xor3A_166 : vector<16xi32> to vector<16x1xi32>
    %gather3A_168 = vector.shape_cast %broadcast_in_dim3A_167 : vector<16x1xi32> to vector<16xi32>
    %gather3A_169 = tpu.dynamic_gather %min3A_163[%gather3A_168] in [0] : vector<16xi32>, vector<16xi32> -> vector<16xi32>
    %min3A_170 = arith.minsi %min3A_163, %gather3A_169 : vector<16xi32>
    %xor3A_171 = arith.constant 4 : i32
    %xor3A_172 = vector.broadcast %xor3A_171 : i32 to vector<16xi32>
    %xor3A_173 = arith.xori %iota3A, %xor3A_172 : vector<16xi32>
    %broadcast_in_dim3A_174 = vector.shape_cast %xor3A_173 : vector<16xi32> to vector<16x1xi32>
    %gather3A_175 = vector.shape_cast %broadcast_in_dim3A_174 : vector<16x1xi32> to vector<16xi32>
    %gather3A_176 = tpu.dynamic_gather %min3A_170[%gather3A_175] in [0] : vector<16xi32>, vector<16xi32> -> vector<16xi32>
    %min3A_177 = arith.minsi %min3A_170, %gather3A_176 : vector<16xi32>
    %xor3A_178 = arith.constant 8 : i32
    %xor3A_179 = vector.broadcast %xor3A_178 : i32 to vector<16xi32>
    %xor3A_180 = arith.xori %iota3A, %xor3A_179 : vector<16xi32>
    %broadcast_in_dim3A_181 = vector.shape_cast %xor3A_180 : vector<16xi32> to vector<16x1xi32>
    %gather3A_182 = vector.shape_cast %broadcast_in_dim3A_181 : vector<16x1xi32> to vector<16xi32>
    %gather3A_183 = tpu.dynamic_gather %min3A_177[%gather3A_182] in [0] : vector<16xi32>, vector<16xi32> -> vector<16xi32>
    %min3A_184 = arith.minsi %min3A_177, %gather3A_183 : vector<16xi32>
    %get3A_185 = arith.constant 128 : index
    %get3A_186 = tpu.vector_load %arg4[%get3A_185] {strides = array<i32>} : memref<256xf32, #tpu.memory_space<vmem>>, vector<16xf32>,
    %get3A_187 = vector.shape_cast %get3A_186 : vector<16xf32> to vector<16xf32>
    %get3A_188 = arith.constant 144 : index
    %get3A_189 = tpu.vector_load %arg4[%get3A_188] {strides = array<i32>} : memref<256xf32, #tpu.memory_space<vmem>>, vector<16xf32>,
    %get3A_190 = vector.shape_cast %get3A_189 : vector<16xf32> to vector<16xf32>
    %get3A_191 = arith.constant 160 : index
    %get3A_192 = tpu.vector_load %arg4[%get3A_191] {strides = array<i32>} : memref<256xf32, #tpu.memory_space<vmem>>, vector<16xf32>,
    %get3A_193 = vector.shape_cast %get3A_192 : vector<16xf32> to vector<16xf32>
    %get3A_194 = arith.constant 176 : index
    %get3A_195 = tpu.vector_load %arg4[%get3A_194] {strides = array<i32>} : memref<256xf32, #tpu.memory_space<vmem>>, vector<16xf32>,
    %get3A_196 = vector.shape_cast %get3A_195 : vector<16xf32> to vector<16xf32>
    %max3A_197 = arith.maximumf %get3A_187, %get3A_190 : vector<16xf32>
    %max3A_198 = arith.maximumf %max3A_197, %get3A_193 : vector<16xf32>
    %max3A_199 = arith.maximumf %max3A_198, %get3A_196 : vector<16xf32>
    %xor3A_200 = arith.constant 1 : i32
    %xor3A_201 = vector.broadcast %xor3A_200 : i32 to vector<16xi32>
    %xor3A_202 = arith.xori %iota3A, %xor3A_201 : vector<16xi32>
    %broadcast_in_dim3A_203 = vector.shape_cast %xor3A_202 : vector<16xi32> to vector<16x1xi32>
    %gather3A_204 = vector.shape_cast %broadcast_in_dim3A_203 : vector<16x1xi32> to vector<16xi32>
    %gather3A_205 = tpu.dynamic_gather %max3A_199[%gather3A_204] in [0] : vector<16xf32>, vector<16xi32> -> vector<16xf32>
    %max3A_206 = arith.maximumf %max3A_199, %gather3A_205 : vector<16xf32>
    %xor3A_207 = arith.constant 2 : i32
    %xor3A_208 = vector.broadcast %xor3A_207 : i32 to vector<16xi32>
    %xor3A_209 = arith.xori %iota3A, %xor3A_208 : vector<16xi32>
    %broadcast_in_dim3A_210 = vector.shape_cast %xor3A_209 : vector<16xi32> to vector<16x1xi32>
    %gather3A_211 = vector.shape_cast %broadcast_in_dim3A_210 : vector<16x1xi32> to vector<16xi32>
    %gather3A_212 = tpu.dynamic_gather %max3A_206[%gather3A_211] in [0] : vector<16xf32>, vector<16xi32> -> vector<16xf32>
    %max3A_213 = arith.maximumf %max3A_206, %gather3A_212 : vector<16xf32>
    %xor3A_214 = arith.constant 4 : i32
    %xor3A_215 = vector.broadcast %xor3A_214 : i32 to vector<16xi32>
    %xor3A_216 = arith.xori %iota3A, %xor3A_215 : vector<16xi32>
    %broadcast_in_dim3A_217 = vector.shape_cast %xor3A_216 : vector<16xi32> to vector<16x1xi32>
    %gather3A_218 = vector.shape_cast %broadcast_in_dim3A_217 : vector<16x1xi32> to vector<16xi32>
    %gather3A_219 = tpu.dynamic_gather %max3A_213[%gather3A_218] in [0] : vector<16xf32>, vector<16xi32> -> vector<16xf32>
    %max3A_220 = arith.maximumf %max3A_213, %gather3A_219 : vector<16xf32>
    %xor3A_221 = arith.constant 8 : i32
    %xor3A_222 = vector.broadcast %xor3A_221 : i32 to vector<16xi32>
    %xor3A_223 = arith.xori %iota3A, %xor3A_222 : vector<16xi32>
    %broadcast_in_dim3A_224 = vector.shape_cast %xor3A_223 : vector<16xi32> to vector<16x1xi32>
    %gather3A_225 = vector.shape_cast %broadcast_in_dim3A_224 : vector<16x1xi32> to vector<16xi32>
    %gather3A_226 = tpu.dynamic_gather %max3A_220[%gather3A_225] in [0] : vector<16xf32>, vector<16xi32> -> vector<16xf32>
    %max3A_227 = arith.maximumf %max3A_220, %gather3A_226 : vector<16xf32>
    %eq3A_228 = arith.cmpf oeq, %get3A_187, %max3A_227 : vector<16xf32>
    %add3A_229 = arith.constant 0 : i32
    %add3A_230 = vector.broadcast %add3A_229 : i32 to vector<16xi32>
    %add3A_231 = arith.addi %iota3A, %add3A_230 : vector<16xi32>
    %select_n3A_232 = arith.select %eq3A_228, %add3A_231, %broadcast_in_dim3A_1 : vector<16xi1>, vector<16xi32>
    %min3A_233 = arith.minsi %broadcast_in_dim3A_1, %select_n3A_232 : vector<16xi32>
    %eq3A_234 = arith.cmpf oeq, %get3A_190, %max3A_227 : vector<16xf32>
    %add3A_235 = arith.constant 16 : i32
    %add3A_236 = vector.broadcast %add3A_235 : i32 to vector<16xi32>
    %add3A_237 = arith.addi %iota3A, %add3A_236 : vector<16xi32>
    %select_n3A_238 = arith.select %eq3A_234, %add3A_237, %broadcast_in_dim3A_1 : vector<16xi1>, vector<16xi32>
    %min3A_239 = arith.minsi %min3A_233, %select_n3A_238 : vector<16xi32>
    %eq3A_240 = arith.cmpf oeq, %get3A_193, %max3A_227 : vector<16xf32>
    %add3A_241 = arith.constant 32 : i32
    %add3A_242 = vector.broadcast %add3A_241 : i32 to vector<16xi32>
    %add3A_243 = arith.addi %iota3A, %add3A_242 : vector<16xi32>
    %select_n3A_244 = arith.select %eq3A_240, %add3A_243, %broadcast_in_dim3A_1 : vector<16xi1>, vector<16xi32>
    %min3A_245 = arith.minsi %min3A_239, %select_n3A_244 : vector<16xi32>
    %eq3A_246 = arith.cmpf oeq, %get3A_196, %max3A_227 : vector<16xf32>
    %add3A_247 = arith.constant 48 : i32
    %add3A_248 = vector.broadcast %add3A_247 : i32 to vector<16xi32>
    %add3A_249 = arith.addi %iota3A, %add3A_248 : vector<16xi32>
    %select_n3A_250 = arith.select %eq3A_246, %add3A_249, %broadcast_in_dim3A_1 : vector<16xi1>, vector<16xi32>
    %min3A_251 = arith.minsi %min3A_245, %select_n3A_250 : vector<16xi32>
    %xor3A_252 = arith.constant 1 : i32
    %xor3A_253 = vector.broadcast %xor3A_252 : i32 to vector<16xi32>
    %xor3A_254 = arith.xori %iota3A, %xor3A_253 : vector<16xi32>
    %broadcast_in_dim3A_255 = vector.shape_cast %xor3A_254 : vector<16xi32> to vector<16x1xi32>
    %gather3A_256 = vector.shape_cast %broadcast_in_dim3A_255 : vector<16x1xi32> to vector<16xi32>
    %gather3A_257 = tpu.dynamic_gather %min3A_251[%gather3A_256] in [0] : vector<16xi32>, vector<16xi32> -> vector<16xi32>
    %min3A_258 = arith.minsi %min3A_251, %gather3A_257 : vector<16xi32>
    %xor3A_259 = arith.constant 2 : i32
    %xor3A_260 = vector.broadcast %xor3A_259 : i32 to vector<16xi32>
    %xor3A_261 = arith.xori %iota3A, %xor3A_260 : vector<16xi32>
    %broadcast_in_dim3A_262 = vector.shape_cast %xor3A_261 : vector<16xi32> to vector<16x1xi32>
    %gather3A_263 = vector.shape_cast %broadcast_in_dim3A_262 : vector<16x1xi32> to vector<16xi32>
    %gather3A_264 = tpu.dynamic_gather %min3A_258[%gather3A_263] in [0] : vector<16xi32>, vector<16xi32> -> vector<16xi32>
    %min3A_265 = arith.minsi %min3A_258, %gather3A_264 : vector<16xi32>
    %xor3A_266 = arith.constant 4 : i32
    %xor3A_267 = vector.broadcast %xor3A_266 : i32 to vector<16xi32>
    %xor3A_268 = arith.xori %iota3A, %xor3A_267 : vector<16xi32>
    %broadcast_in_dim3A_269 = vector.shape_cast %xor3A_268 : vector<16xi32> to vector<16x1xi32>
    %gather3A_270 = vector.shape_cast %broadcast_in_dim3A_269 : vector<16x1xi32> to vector<16xi32>
    %gather3A_271 = tpu.dynamic_gather %min3A_265[%gather3A_270] in [0] : vector<16xi32>, vector<16xi32> -> vector<16xi32>
    %min3A_272 = arith.minsi %min3A_265, %gather3A_271 : vector<16xi32>
    %xor3A_273 = arith.constant 8 : i32
    %xor3A_274 = vector.broadcast %xor3A_273 : i32 to vector<16xi32>
    %xor3A_275 = arith.xori %iota3A, %xor3A_274 : vector<16xi32>
    %broadcast_in_dim3A_276 = vector.shape_cast %xor3A_275 : vector<16xi32> to vector<16x1xi32>
    %gather3A_277 = vector.shape_cast %broadcast_in_dim3A_276 : vector<16x1xi32> to vector<16xi32>
    %gather3A_278 = tpu.dynamic_gather %min3A_272[%gather3A_277] in [0] : vector<16xi32>, vector<16xi32> -> vector<16xi32>
    %min3A_279 = arith.minsi %min3A_272, %gather3A_278 : vector<16xi32>
    %get3A_280 = arith.constant 192 : index
    %get3A_281 = tpu.vector_load %arg4[%get3A_280] {strides = array<i32>} : memref<256xf32, #tpu.memory_space<vmem>>, vector<16xf32>,
    %get3A_282 = vector.shape_cast %get3A_281 : vector<16xf32> to vector<16xf32>
    %get3A_283 = arith.constant 208 : index
    %get3A_284 = tpu.vector_load %arg4[%get3A_283] {strides = array<i32>} : memref<256xf32, #tpu.memory_space<vmem>>, vector<16xf32>,
    %get3A_285 = vector.shape_cast %get3A_284 : vector<16xf32> to vector<16xf32>
    %get3A_286 = arith.constant 224 : index
    %get3A_287 = tpu.vector_load %arg4[%get3A_286] {strides = array<i32>} : memref<256xf32, #tpu.memory_space<vmem>>, vector<16xf32>,
    %get3A_288 = vector.shape_cast %get3A_287 : vector<16xf32> to vector<16xf32>
    %get3A_289 = arith.constant 240 : index
    %get3A_290 = tpu.vector_load %arg4[%get3A_289] {strides = array<i32>} : memref<256xf32, #tpu.memory_space<vmem>>, vector<16xf32>,
    %get3A_291 = vector.shape_cast %get3A_290 : vector<16xf32> to vector<16xf32>
    %max3A_292 = arith.maximumf %get3A_282, %get3A_285 : vector<16xf32>
    %max3A_293 = arith.maximumf %max3A_292, %get3A_288 : vector<16xf32>
    %max3A_294 = arith.maximumf %max3A_293, %get3A_291 : vector<16xf32>
    %xor3A_295 = arith.constant 1 : i32
    %xor3A_296 = vector.broadcast %xor3A_295 : i32 to vector<16xi32>
    %xor3A_297 = arith.xori %iota3A, %xor3A_296 : vector<16xi32>
    %broadcast_in_dim3A_298 = vector.shape_cast %xor3A_297 : vector<16xi32> to vector<16x1xi32>
    %gather3A_299 = vector.shape_cast %broadcast_in_dim3A_298 : vector<16x1xi32> to vector<16xi32>
    %gather3A_300 = tpu.dynamic_gather %max3A_294[%gather3A_299] in [0] : vector<16xf32>, vector<16xi32> -> vector<16xf32>
    %max3A_301 = arith.maximumf %max3A_294, %gather3A_300 : vector<16xf32>
    %xor3A_302 = arith.constant 2 : i32
    %xor3A_303 = vector.broadcast %xor3A_302 : i32 to vector<16xi32>
    %xor3A_304 = arith.xori %iota3A, %xor3A_303 : vector<16xi32>
    %broadcast_in_dim3A_305 = vector.shape_cast %xor3A_304 : vector<16xi32> to vector<16x1xi32>
    %gather3A_306 = vector.shape_cast %broadcast_in_dim3A_305 : vector<16x1xi32> to vector<16xi32>
    %gather3A_307 = tpu.dynamic_gather %max3A_301[%gather3A_306] in [0] : vector<16xf32>, vector<16xi32> -> vector<16xf32>
    %max3A_308 = arith.maximumf %max3A_301, %gather3A_307 : vector<16xf32>
    %xor3A_309 = arith.constant 4 : i32
    %xor3A_310 = vector.broadcast %xor3A_309 : i32 to vector<16xi32>
    %xor3A_311 = arith.xori %iota3A, %xor3A_310 : vector<16xi32>
    %broadcast_in_dim3A_312 = vector.shape_cast %xor3A_311 : vector<16xi32> to vector<16x1xi32>
    %gather3A_313 = vector.shape_cast %broadcast_in_dim3A_312 : vector<16x1xi32> to vector<16xi32>
    %gather3A_314 = tpu.dynamic_gather %max3A_308[%gather3A_313] in [0] : vector<16xf32>, vector<16xi32> -> vector<16xf32>
    %max3A_315 = arith.maximumf %max3A_308, %gather3A_314 : vector<16xf32>
    %xor3A_316 = arith.constant 8 : i32
    %xor3A_317 = vector.broadcast %xor3A_316 : i32 to vector<16xi32>
    %xor3A_318 = arith.xori %iota3A, %xor3A_317 : vector<16xi32>
    %broadcast_in_dim3A_319 = vector.shape_cast %xor3A_318 : vector<16xi32> to vector<16x1xi32>
    %gather3A_320 = vector.shape_cast %broadcast_in_dim3A_319 : vector<16x1xi32> to vector<16xi32>
    %gather3A_321 = tpu.dynamic_gather %max3A_315[%gather3A_320] in [0] : vector<16xf32>, vector<16xi32> -> vector<16xf32>
    %max3A_322 = arith.maximumf %max3A_315, %gather3A_321 : vector<16xf32>
    %eq3A_323 = arith.cmpf oeq, %get3A_282, %max3A_322 : vector<16xf32>
    %add3A_324 = arith.constant 0 : i32
    %add3A_325 = vector.broadcast %add3A_324 : i32 to vector<16xi32>
    %add3A_326 = arith.addi %iota3A, %add3A_325 : vector<16xi32>
    %select_n3A_327 = arith.select %eq3A_323, %add3A_326, %broadcast_in_dim3A_1 : vector<16xi1>, vector<16xi32>
    %min3A_328 = arith.minsi %broadcast_in_dim3A_1, %select_n3A_327 : vector<16xi32>
    %eq3A_329 = arith.cmpf oeq, %get3A_285, %max3A_322 : vector<16xf32>
    %add3A_330 = arith.constant 16 : i32
    %add3A_331 = vector.broadcast %add3A_330 : i32 to vector<16xi32>
    %add3A_332 = arith.addi %iota3A, %add3A_331 : vector<16xi32>
    %select_n3A_333 = arith.select %eq3A_329, %add3A_332, %broadcast_in_dim3A_1 : vector<16xi1>, vector<16xi32>
    %min3A_334 = arith.minsi %min3A_328, %select_n3A_333 : vector<16xi32>
    %eq3A_335 = arith.cmpf oeq, %get3A_288, %max3A_322 : vector<16xf32>
    %add3A_336 = arith.constant 32 : i32
    %add3A_337 = vector.broadcast %add3A_336 : i32 to vector<16xi32>
    %add3A_338 = arith.addi %iota3A, %add3A_337 : vector<16xi32>
    %select_n3A_339 = arith.select %eq3A_335, %add3A_338, %broadcast_in_dim3A_1 : vector<16xi1>, vector<16xi32>
    %min3A_340 = arith.minsi %min3A_334, %select_n3A_339 : vector<16xi32>
    %eq3A_341 = arith.cmpf oeq, %get3A_291, %max3A_322 : vector<16xf32>
    %add3A_342 = arith.constant 48 : i32
    %add3A_343 = vector.broadcast %add3A_342 : i32 to vector<16xi32>
    %add3A_344 = arith.addi %iota3A, %add3A_343 : vector<16xi32>
    %select_n3A_345 = arith.select %eq3A_341, %add3A_344, %broadcast_in_dim3A_1 : vector<16xi1>, vector<16xi32>
    %min3A_346 = arith.minsi %min3A_340, %select_n3A_345 : vector<16xi32>
    %xor3A_347 = arith.constant 1 : i32
    %xor3A_348 = vector.broadcast %xor3A_347 : i32 to vector<16xi32>
    %xor3A_349 = arith.xori %iota3A, %xor3A_348 : vector<16xi32>
    %broadcast_in_dim3A_350 = vector.shape_cast %xor3A_349 : vector<16xi32> to vector<16x1xi32>
    %gather3A_351 = vector.shape_cast %broadcast_in_dim3A_350 : vector<16x1xi32> to vector<16xi32>
    %gather3A_352 = tpu.dynamic_gather %min3A_346[%gather3A_351] in [0] : vector<16xi32>, vector<16xi32> -> vector<16xi32>
    %min3A_353 = arith.minsi %min3A_346, %gather3A_352 : vector<16xi32>
    %xor3A_354 = arith.constant 2 : i32
    %xor3A_355 = vector.broadcast %xor3A_354 : i32 to vector<16xi32>
    %xor3A_356 = arith.xori %iota3A, %xor3A_355 : vector<16xi32>
    %broadcast_in_dim3A_357 = vector.shape_cast %xor3A_356 : vector<16xi32> to vector<16x1xi32>
    %gather3A_358 = vector.shape_cast %broadcast_in_dim3A_357 : vector<16x1xi32> to vector<16xi32>
    %gather3A_359 = tpu.dynamic_gather %min3A_353[%gather3A_358] in [0] : vector<16xi32>, vector<16xi32> -> vector<16xi32>
    %min3A_360 = arith.minsi %min3A_353, %gather3A_359 : vector<16xi32>
    %xor3A_361 = arith.constant 4 : i32
    %xor3A_362 = vector.broadcast %xor3A_361 : i32 to vector<16xi32>
    %xor3A_363 = arith.xori %iota3A, %xor3A_362 : vector<16xi32>
    %broadcast_in_dim3A_364 = vector.shape_cast %xor3A_363 : vector<16xi32> to vector<16x1xi32>
    %gather3A_365 = vector.shape_cast %broadcast_in_dim3A_364 : vector<16x1xi32> to vector<16xi32>
    %gather3A_366 = tpu.dynamic_gather %min3A_360[%gather3A_365] in [0] : vector<16xi32>, vector<16xi32> -> vector<16xi32>
    %min3A_367 = arith.minsi %min3A_360, %gather3A_366 : vector<16xi32>
    %xor3A_368 = arith.constant 8 : i32
    %xor3A_369 = vector.broadcast %xor3A_368 : i32 to vector<16xi32>
    %xor3A_370 = arith.xori %iota3A, %xor3A_369 : vector<16xi32>
    %broadcast_in_dim3A_371 = vector.shape_cast %xor3A_370 : vector<16xi32> to vector<16x1xi32>
    %gather3A_372 = vector.shape_cast %broadcast_in_dim3A_371 : vector<16x1xi32> to vector<16xi32>
    %gather3A_373 = tpu.dynamic_gather %min3A_367[%gather3A_372] in [0] : vector<16xi32>, vector<16xi32> -> vector<16xi32>
    %min3A_374 = arith.minsi %min3A_367, %gather3A_373 : vector<16xi32>
    %broadcast_in_dim3A_375 = arith.constant 0 : i32
    %broadcast_in_dim3A_376 = vector.broadcast %broadcast_in_dim3A_375 : i32 to vector<16xi32>
    %broadcast_in_dim3A_377 = arith.constant 1 : i32
    %broadcast_in_dim3A_378 = vector.broadcast %broadcast_in_dim3A_377 : i32 to vector<16xi32>
    %eq3A_379 = arith.cmpi eq, %min3A_89, %min3A_89 : vector<16xi32>
    %select_n3A_380 = arith.select %eq3A_379, %broadcast_in_dim3A_378, %broadcast_in_dim3A_376 : vector<16xi1>, vector<16xi32>
    %add3A_381 = arith.addi %broadcast_in_dim3A_376, %select_n3A_380 : vector<16xi32>
    %eq3A_382 = arith.cmpi eq, %min3A_89, %min3A_184 : vector<16xi32>
    %select_n3A_383 = arith.select %eq3A_382, %broadcast_in_dim3A_378, %broadcast_in_dim3A_376 : vector<16xi1>, vector<16xi32>
    %add3A_384 = arith.addi %add3A_381, %select_n3A_383 : vector<16xi32>
    %eq3A_385 = arith.cmpi eq, %min3A_89, %min3A_279 : vector<16xi32>
    %select_n3A_386 = arith.select %eq3A_385, %broadcast_in_dim3A_378, %broadcast_in_dim3A_376 : vector<16xi1>, vector<16xi32>
    %add3A_387 = arith.addi %add3A_384, %select_n3A_386 : vector<16xi32>
    %eq3A_388 = arith.cmpi eq, %min3A_89, %min3A_374 : vector<16xi32>
    %select_n3A_389 = arith.select %eq3A_388, %broadcast_in_dim3A_378, %broadcast_in_dim3A_376 : vector<16xi1>, vector<16xi32>
    %add3A_390 = arith.addi %add3A_387, %select_n3A_389 : vector<16xi32>
    %eq3A_391 = arith.cmpi eq, %min3A_184, %min3A_89 : vector<16xi32>
    %select_n3A_392 = arith.select %eq3A_391, %broadcast_in_dim3A_378, %broadcast_in_dim3A_376 : vector<16xi1>, vector<16xi32>
    %add3A_393 = arith.addi %broadcast_in_dim3A_376, %select_n3A_392 : vector<16xi32>
    %eq3A_394 = arith.cmpi eq, %min3A_184, %min3A_184 : vector<16xi32>
    %select_n3A_395 = arith.select %eq3A_394, %broadcast_in_dim3A_378, %broadcast_in_dim3A_376 : vector<16xi1>, vector<16xi32>
    %add3A_396 = arith.addi %add3A_393, %select_n3A_395 : vector<16xi32>
    %eq3A_397 = arith.cmpi eq, %min3A_184, %min3A_279 : vector<16xi32>
    %select_n3A_398 = arith.select %eq3A_397, %broadcast_in_dim3A_378, %broadcast_in_dim3A_376 : vector<16xi1>, vector<16xi32>
    %add3A_399 = arith.addi %add3A_396, %select_n3A_398 : vector<16xi32>
    %eq3A_400 = arith.cmpi eq, %min3A_184, %min3A_374 : vector<16xi32>
    %select_n3A_401 = arith.select %eq3A_400, %broadcast_in_dim3A_378, %broadcast_in_dim3A_376 : vector<16xi1>, vector<16xi32>
    %add3A_402 = arith.addi %add3A_399, %select_n3A_401 : vector<16xi32>
    %eq3A_403 = arith.cmpi eq, %min3A_279, %min3A_89 : vector<16xi32>
    %select_n3A_404 = arith.select %eq3A_403, %broadcast_in_dim3A_378, %broadcast_in_dim3A_376 : vector<16xi1>, vector<16xi32>
    %add3A_405 = arith.addi %broadcast_in_dim3A_376, %select_n3A_404 : vector<16xi32>
    %eq3A_406 = arith.cmpi eq, %min3A_279, %min3A_184 : vector<16xi32>
    %select_n3A_407 = arith.select %eq3A_406, %broadcast_in_dim3A_378, %broadcast_in_dim3A_376 : vector<16xi1>, vector<16xi32>
    %add3A_408 = arith.addi %add3A_405, %select_n3A_407 : vector<16xi32>
    %eq3A_409 = arith.cmpi eq, %min3A_279, %min3A_279 : vector<16xi32>
    %select_n3A_410 = arith.select %eq3A_409, %broadcast_in_dim3A_378, %broadcast_in_dim3A_376 : vector<16xi1>, vector<16xi32>
    %add3A_411 = arith.addi %add3A_408, %select_n3A_410 : vector<16xi32>
    %eq3A_412 = arith.cmpi eq, %min3A_279, %min3A_374 : vector<16xi32>
    %select_n3A_413 = arith.select %eq3A_412, %broadcast_in_dim3A_378, %broadcast_in_dim3A_376 : vector<16xi1>, vector<16xi32>
    %add3A_414 = arith.addi %add3A_411, %select_n3A_413 : vector<16xi32>
    %eq3A_415 = arith.cmpi eq, %min3A_374, %min3A_89 : vector<16xi32>
    %select_n3A_416 = arith.select %eq3A_415, %broadcast_in_dim3A_378, %broadcast_in_dim3A_376 : vector<16xi1>, vector<16xi32>
    %add3A_417 = arith.addi %broadcast_in_dim3A_376, %select_n3A_416 : vector<16xi32>
    %eq3A_418 = arith.cmpi eq, %min3A_374, %min3A_184 : vector<16xi32>
    %select_n3A_419 = arith.select %eq3A_418, %broadcast_in_dim3A_378, %broadcast_in_dim3A_376 : vector<16xi1>, vector<16xi32>
    %add3A_420 = arith.addi %add3A_417, %select_n3A_419 : vector<16xi32>
    %eq3A_421 = arith.cmpi eq, %min3A_374, %min3A_279 : vector<16xi32>
    %select_n3A_422 = arith.select %eq3A_421, %broadcast_in_dim3A_378, %broadcast_in_dim3A_376 : vector<16xi1>, vector<16xi32>
    %add3A_423 = arith.addi %add3A_420, %select_n3A_422 : vector<16xi32>
    %eq3A_424 = arith.cmpi eq, %min3A_374, %min3A_374 : vector<16xi32>
    %select_n3A_425 = arith.select %eq3A_424, %broadcast_in_dim3A_378, %broadcast_in_dim3A_376 : vector<16xi1>, vector<16xi32>
    %add3A_426 = arith.addi %add3A_423, %select_n3A_425 : vector<16xi32>
    %gt3A = arith.cmpi sgt, %add3A_402, %add3A_390 : vector<16xi32>
    %eq3A_427 = arith.cmpi eq, %add3A_402, %add3A_390 : vector<16xi32>
    %lt3A = arith.cmpi slt, %min3A_184, %min3A_89 : vector<16xi32>
    %and3A = arith.andi %eq3A_427, %lt3A : vector<16xi1>
    %or3A = arith.ori %gt3A, %and3A : vector<16xi1>
    %select_n3A_428 = arith.select %or3A, %min3A_184, %min3A_89 : vector<16xi1>, vector<16xi32>
    %select_n3A_429 = arith.select %or3A, %add3A_402, %add3A_390 : vector<16xi1>, vector<16xi32>
    %gt3A_430 = arith.cmpi sgt, %add3A_414, %select_n3A_429 : vector<16xi32>
    %eq3A_431 = arith.cmpi eq, %add3A_414, %select_n3A_429 : vector<16xi32>
    %lt3A_432 = arith.cmpi slt, %min3A_279, %select_n3A_428 : vector<16xi32>
    %and3A_433 = arith.andi %eq3A_431, %lt3A_432 : vector<16xi1>
    %or3A_434 = arith.ori %gt3A_430, %and3A_433 : vector<16xi1>
    %select_n3A_435 = arith.select %or3A_434, %min3A_279, %select_n3A_428 : vector<16xi1>, vector<16xi32>
    %select_n3A_436 = arith.select %or3A_434, %add3A_414, %select_n3A_429 : vector<16xi1>, vector<16xi32>
    %gt3A_437 = arith.cmpi sgt, %add3A_426, %select_n3A_436 : vector<16xi32>
    %eq3A_438 = arith.cmpi eq, %add3A_426, %select_n3A_436 : vector<16xi32>
    %lt3A_439 = arith.cmpi slt, %min3A_374, %select_n3A_435 : vector<16xi32>
    %and3A_440 = arith.andi %eq3A_438, %lt3A_439 : vector<16xi1>
    %or3A_441 = arith.ori %gt3A_437, %and3A_440 : vector<16xi1>
    %select_n3A_442 = arith.select %or3A_441, %min3A_374, %select_n3A_435 : vector<16xi1>, vector<16xi32>
    %select_n3A_443 = arith.select %or3A_441, %add3A_426, %select_n3A_436 : vector<16xi1>, vector<16xi32>
    %swap3A = arith.constant 0 : index
    %swap3A_444 = tpu.vector_load %arg5[%swap3A] {strides = array<i32>} : memref<16xi32, #tpu.memory_space<vmem>>, vector<16xi32>,
    %swap3A_445 = vector.shape_cast %swap3A_444 : vector<16xi32> to vector<16xi32>
    %swap3A_446 = vector.shape_cast %select_n3A_442 : vector<16xi32> to vector<16xi32>
    tpu.vector_store %arg5[%swap3A], %swap3A_446 {strides = array<i32>} : memref<16xi32, #tpu.memory_space<vmem>>, vector<16xi32>,
    %eq3A_447 = arith.constant 0 : i32
    %eq3A_448 = arith.cmpi eq, %add3A, %eq3A_447 : i32
    %convert_element_type3A = arith.extui %eq3A_448 : i1 to i32
    %cond3A = arith.constant 0 : i32
    %cond3A_449 = arith.cmpi ne, %convert_element_type3A, %cond3A : i32
    scf.if %cond3A_449 {
      "tpu.region"() ({
        %run_scoped3A = tpu.sem_alloc : memref<!tpu.dma_semaphore, #tpu.memory_space<semaphore_mem>>
        tpu.enqueue_dma source(%arg5 : memref<16xi32, #tpu.memory_space<vmem>>) target(%arg3 : memref<16xi32, #tpu.memory_space<hbm>>) target_semaphore(%run_scoped3A : memref<!tpu.dma_semaphore, #tpu.memory_space<semaphore_mem>>)
        tpu.wait_dma2 semaphore(%run_scoped3A : memref<!tpu.dma_semaphore, #tpu.memory_space<semaphore_mem>>) src(%arg5 : memref<16xi32, #tpu.memory_space<vmem>>) dst(%arg3 : memref<16xi32, #tpu.memory_space<hbm>>)
        tpu.yield
      }) : () -> ()
    } else {
    }
    return
  }
}

module attributes {stable_mosaic.version = 14 : i64} {
  func.func @_router_kernel(%arg0: i32, %arg1: memref<4096x768xf32, #tpu.memory_space<vmem>>, %arg2: memref<768x256xf32, #tpu.memory_space<vmem>>, %arg3: memref<1x192xf32, #tpu.memory_space<vmem>>, %arg4: memref<192x192xf32, #tpu.memory_space<vmem>>, %arg5: memref<1x192xf32, #tpu.memory_space<vmem>>, %arg6: memref<192x64xf32, #tpu.memory_space<vmem>>, %arg7: memref<1x64xf32, #tpu.memory_space<vmem>>, %arg8: memref<1x1xf32, #tpu.memory_space<vmem>>, %arg9: memref<4x64xf32, #tpu.memory_space<vmem>>, %arg10: memref<4x192xf32, #tpu.memory_space<vmem>>) attributes {dimension_semantics = [#tpu.dimension_semantics<arbitrary>], iteration_bounds = array<i64: 8>, scalar_prefetch = 0 : i64, scratch_operands = 1 : i64, tpu.core_type = #tpu.core_type<tc>, window_params = [{transform_indices = @transform_0, window_bounds = array<i64: 4096, 768>}, {pipeline_mode = #tpu.pipeline_mode<synchronous>, transform_indices = @transform_1, window_bounds = array<i64: 768, 256>}, {pipeline_mode = #tpu.pipeline_mode<synchronous>, transform_indices = @transform_2, window_bounds = array<i64: 1, 192>}, {pipeline_mode = #tpu.pipeline_mode<synchronous>, transform_indices = @transform_3, window_bounds = array<i64: 192, 192>}, {pipeline_mode = #tpu.pipeline_mode<synchronous>, transform_indices = @transform_4, window_bounds = array<i64: 1, 192>}, {pipeline_mode = #tpu.pipeline_mode<synchronous>, transform_indices = @transform_5, window_bounds = array<i64: 192, 64>}, {pipeline_mode = #tpu.pipeline_mode<synchronous>, transform_indices = @transform_6, window_bounds = array<i64: 1, 64>}, {pipeline_mode = #tpu.pipeline_mode<synchronous>, transform_indices = @transform_7, window_bounds = array<i64: 1, 1>}, {pipeline_mode = #tpu.pipeline_mode<synchronous>, transform_indices = @transform_8, window_bounds = array<i64: 4, 64>}]} {
    %jit3A = arith.constant 2 : i32
    %div3A = arith.divsi %arg0, %jit3A : i32
    %sign3A = arith.constant 0 : i32
    %sign3A_0 = arith.cmpi sgt, %arg0, %sign3A : i32
    %sign3A_1 = arith.extui %sign3A_0 : i1 to i32
    %sign3A_2 = arith.constant 0 : i32
    %sign3A_3 = arith.cmpi slt, %arg0, %sign3A_2 : i32
    %sign3A_4 = arith.extui %sign3A_3 : i1 to i32
    %sign3A_5 = arith.subi %sign3A_1, %sign3A_4 : i32
    %sign3A_6 = arith.constant 0 : i32
    %sign3A_7 = arith.cmpi sgt, %jit3A, %sign3A_6 : i32
    %sign3A_8 = arith.extui %sign3A_7 : i1 to i32
    %sign3A_9 = arith.constant 0 : i32
    %sign3A_10 = arith.cmpi slt, %jit3A, %sign3A_9 : i32
    %sign3A_11 = arith.extui %sign3A_10 : i1 to i32
    %sign3A_12 = arith.subi %sign3A_8, %sign3A_11 : i32
    %ne3A = arith.cmpi ne, %sign3A_5, %sign3A_12 : i32
    %rem3A = arith.remsi %arg0, %jit3A : i32
    %ne3A_13 = arith.constant 0 : i32
    %ne3A_14 = arith.cmpi ne, %rem3A, %ne3A_13 : i32
    %and3A = arith.andi %ne3A, %ne3A_14 : i1
    %sub3A = arith.constant 1 : i32
    %sub3A_15 = arith.subi %div3A, %sub3A : i32
    %select_n3A = arith.select %and3A, %sub3A_15, %div3A : i32
    %get3A = arith.constant 0 : index
    %get3A_16 = arith.constant 0 : index
    %get3A_17 = vector.load %arg1[%get3A, %get3A_16] : memref<4096x768xf32, #tpu.memory_space<vmem>>, vector<4096x768xf32>
    %mul3A = arith.mulf %get3A_17, %get3A_17 : vector<4096x768xf32>
    %reduce_sum3A = arith.constant dense<0.000000e+00> : vector<4096xf32>
    %reduce_sum3A_18 = vector.multi_reduction <add>, %mul3A, %reduce_sum3A [1] : vector<4096x768xf32> to vector<4096xf32>
    %broadcast_in_dim3A = vector.shape_cast %reduce_sum3A_18 : vector<4096xf32> to vector<4096x1xf32>
    %mul3A_19 = arith.constant 0.00130208337 : f32
    %mul3A_20 = vector.broadcast %mul3A_19 : f32 to vector<4096x1xf32>
    %mul3A_21 = arith.mulf %broadcast_in_dim3A, %mul3A_20 : vector<4096x1xf32>
    %get3A_22 = arith.constant 0 : index
    %get3A_23 = arith.constant 0 : index
    %get3A_24 = vector.load %arg2[%get3A_22, %get3A_23] : memref<768x256xf32, #tpu.memory_space<vmem>>, vector<768x256xf32>
    %dot_general3A = arith.constant dense<0.000000e+00> : vector<4096x256xf32>
    %dot_general3A_25 = tpu.matmul %get3A_17, %get3A_24, %dot_general3A {dimension_numbers = #tpu.dot_dimension_numbers<[1], [0], [0], [1], [0, 0, 1, 1], [], []>, transpose_lhs_hint = false} : vector<4096x768xf32>, vector<768x256xf32>, vector<4096x256xf32> -> vector<4096x256xf32>
    %slice3A = vector.extract_strided_slice %dot_general3A_25 {offsets = [0, 192], sizes = [4096, 1], strides = [1, 1]} : vector<4096x256xf32> to vector<4096x1xf32>
    %mul3A_26 = arith.mulf %slice3A, %slice3A : vector<4096x1xf32>
    %sub3A_27 = arith.subf %mul3A_21, %mul3A_26 : vector<4096x1xf32>
    %add3A = arith.constant 9.99999974E-6 : f32
    %add3A_28 = vector.broadcast %add3A : f32 to vector<4096x1xf32>
    %add3A_29 = arith.addf %sub3A_27, %add3A_28 : vector<4096x1xf32>
    %rsqrt3A = math.rsqrt %add3A_29 : vector<4096x1xf32>
    %slice3A_30 = vector.extract_strided_slice %dot_general3A_25 {offsets = [0, 0], sizes = [4096, 192], strides = [1, 1]} : vector<4096x256xf32> to vector<4096x192xf32>
    %mul3A_31 = vector.broadcast %rsqrt3A : vector<4096x1xf32> to vector<4096x192xf32>
    %mul3A_32 = arith.mulf %mul3A_31, %slice3A_30 : vector<4096x192xf32>
    %get3A_33 = arith.constant 0 : index
    %get3A_34 = arith.constant 0 : index
    %get3A_35 = vector.load %arg3[%get3A_33, %get3A_34] : memref<1x192xf32, #tpu.memory_space<vmem>>, vector<1x192xf32>
    %add3A_36 = vector.broadcast %get3A_35 : vector<1x192xf32> to vector<4096x192xf32>
    %add3A_37 = arith.addf %mul3A_32, %add3A_36 : vector<4096x192xf32>
    %mul3A_38 = arith.constant 5.000000e-01 : f32
    %mul3A_39 = vector.broadcast %mul3A_38 : f32 to vector<4096x192xf32>
    %mul3A_40 = arith.mulf %mul3A_39, %add3A_37 : vector<4096x192xf32>
    %mul3A_41 = arith.constant 0.707106769 : f32
    %mul3A_42 = vector.broadcast %mul3A_41 : f32 to vector<4096x192xf32>
    %mul3A_43 = arith.mulf %add3A_37, %mul3A_42 : vector<4096x192xf32>
    %erf3A = math.erf %mul3A_43 : vector<4096x192xf32>
    %add3A_44 = arith.constant 1.000000e+00 : f32
    %add3A_45 = vector.broadcast %add3A_44 : f32 to vector<4096x192xf32>
    %add3A_46 = arith.addf %add3A_45, %erf3A : vector<4096x192xf32>
    %mul3A_47 = arith.mulf %mul3A_40, %add3A_46 : vector<4096x192xf32>
    %reduce_sum3A_48 = arith.constant dense<0.000000e+00> : vector<192xf32>
    %reduce_sum3A_49 = vector.multi_reduction <add>, %mul3A_47, %reduce_sum3A_48 [0] : vector<4096x192xf32> to vector<192xf32>
    %broadcast_in_dim3A_50 = vector.shape_cast %reduce_sum3A_49 : vector<192xf32> to vector<1x192xf32>
    %eq3A = arith.constant 0 : i32
    %eq3A_51 = arith.cmpi eq, %arg0, %eq3A : i32
    %convert_element_type3A = arith.extui %eq3A_51 : i1 to i32
    %cond3A = arith.constant 0 : i32
    %cond3A_52 = arith.cmpi ne, %convert_element_type3A, %cond3A : i32
    scf.if %cond3A_52 {
      %broadcast_in_dim3A_71 = arith.constant 0.000000e+00 : f32
      %broadcast_in_dim3A_72 = vector.broadcast %broadcast_in_dim3A_71 : f32 to vector<4x192xf32>
      %swap3A_73 = arith.constant 0 : index
      %swap3A_74 = arith.constant 0 : index
      %swap3A_75 = vector.load %arg10[%swap3A_73, %swap3A_74] : memref<4x192xf32, #tpu.memory_space<vmem>>, vector<4x192xf32>
      tpu.vector_store %arg10[%swap3A_73, %swap3A_74], %broadcast_in_dim3A_72 {strides = array<i32>} : memref<4x192xf32, #tpu.memory_space<vmem>>, vector<4x192xf32>,
    } else {
    }
    %iota3A = tpu.iota {dimensions = array<i32: 0>} : vector<4x192xi32>
    %get3A_53 = arith.constant 0 : index
    %get3A_54 = arith.constant 0 : index
    %get3A_55 = vector.load %arg10[%get3A_53, %get3A_54] : memref<4x192xf32, #tpu.memory_space<vmem>>, vector<4x192xf32>
    %eq3A_56 = vector.broadcast %select_n3A : i32 to vector<4x192xi32>
    %eq3A_57 = arith.cmpi eq, %iota3A, %eq3A_56 : vector<4x192xi32>
    %jit3A_58 = arith.constant 0.000000e+00 : f32
    %broadcast_in_dim3A_59 = vector.shape_cast %broadcast_in_dim3A_50 : vector<1x192xf32> to vector<1x192xf32>
    %broadcast_in_dim3A_60 = vector.broadcast %broadcast_in_dim3A_59 : vector<1x192xf32> to vector<4x192xf32>
    %broadcast_in_dim3A_61 = vector.broadcast %jit3A_58 : f32 to vector<4x192xf32>
    %select_n3A_62 = arith.select %eq3A_57, %broadcast_in_dim3A_60, %broadcast_in_dim3A_61 : vector<4x192xi1>, vector<4x192xf32>
    %add3A_63 = arith.addf %get3A_55, %select_n3A_62 : vector<4x192xf32>
    %swap3A = arith.constant 0 : index
    %swap3A_64 = arith.constant 0 : index
    %swap3A_65 = vector.load %arg10[%swap3A, %swap3A_64] : memref<4x192xf32, #tpu.memory_space<vmem>>, vector<4x192xf32>
    tpu.vector_store %arg10[%swap3A, %swap3A_64], %add3A_63 {strides = array<i32>} : memref<4x192xf32, #tpu.memory_space<vmem>>, vector<4x192xf32>,
    %eq3A_66 = arith.constant 7 : i32
    %eq3A_67 = arith.cmpi eq, %arg0, %eq3A_66 : i32
    %convert_element_type3A_68 = arith.extui %eq3A_67 : i1 to i32
    %cond3A_69 = arith.constant 0 : i32
    %cond3A_70 = arith.cmpi ne, %convert_element_type3A_68, %cond3A_69 : i32
    scf.if %cond3A_70 {
      %get3A_71 = arith.constant 0 : index
      %get3A_72 = arith.constant 0 : index
      %get3A_73 = vector.load %arg10[%get3A_71, %get3A_72] : memref<4x192xf32, #tpu.memory_space<vmem>>, vector<4x192xf32>
      %get3A_74 = arith.constant 0 : index
      %get3A_75 = arith.constant 0 : index
      %get3A_76 = vector.load %arg4[%get3A_74, %get3A_75] : memref<192x192xf32, #tpu.memory_space<vmem>>, vector<192x192xf32>
      %dot_general3A_77 = arith.constant dense<0.000000e+00> : vector<4x192xf32>
      %dot_general3A_78 = tpu.matmul %get3A_73, %get3A_76, %dot_general3A_77 {dimension_numbers = #tpu.dot_dimension_numbers<[1], [0], [0], [1], [0, 0, 1, 1], [], []>, transpose_lhs_hint = false} : vector<4x192xf32>, vector<192x192xf32>, vector<4x192xf32> -> vector<4x192xf32>
      %get3A_79 = arith.constant 0 : index
      %get3A_80 = arith.constant 0 : index
      %get3A_81 = vector.load %arg5[%get3A_79, %get3A_80] : memref<1x192xf32, #tpu.memory_space<vmem>>, vector<1x192xf32>
      %add3A_82 = vector.broadcast %get3A_81 : vector<1x192xf32> to vector<4x192xf32>
      %add3A_83 = arith.addf %dot_general3A_78, %add3A_82 : vector<4x192xf32>
      %get3A_84 = arith.constant 0 : index
      %get3A_85 = arith.constant 0 : index
      %get3A_86 = vector.load %arg6[%get3A_84, %get3A_85] : memref<192x64xf32, #tpu.memory_space<vmem>>, vector<192x64xf32>
      %dot_general3A_87 = arith.constant dense<0.000000e+00> : vector<4x64xf32>
      %dot_general3A_88 = tpu.matmul %add3A_83, %get3A_86, %dot_general3A_87 {dimension_numbers = #tpu.dot_dimension_numbers<[1], [0], [0], [1], [0, 0, 1, 1], [], []>, transpose_lhs_hint = false} : vector<4x192xf32>, vector<192x64xf32>, vector<4x64xf32> -> vector<4x64xf32>
      %get3A_89 = arith.constant 0 : index
      %get3A_90 = arith.constant 0 : index
      %get3A_91 = vector.load %arg7[%get3A_89, %get3A_90] : memref<1x64xf32, #tpu.memory_space<vmem>>, vector<1x64xf32>
      %add3A_92 = vector.broadcast %get3A_91 : vector<1x64xf32> to vector<4x64xf32>
      %add3A_93 = arith.addf %dot_general3A_88, %add3A_92 : vector<4x64xf32>
      %swap3A_94 = arith.constant 0 : index
      %swap3A_95 = arith.constant 0 : index
      %swap3A_96 = vector.load %arg9[%swap3A_94, %swap3A_95] : memref<4x64xf32, #tpu.memory_space<vmem>>, vector<4x64xf32>
      tpu.vector_store %arg9[%swap3A_94, %swap3A_95], %add3A_93 {strides = array<i32>} : memref<4x64xf32, #tpu.memory_space<vmem>>, vector<4x64xf32>,
      %reduce_max3A = arith.constant dense<0xFF800000> : vector<4xf32>
      %reduce_max3A_97 = vector.multi_reduction <maximumf>, %add3A_93, %reduce_max3A [1] : vector<4x64xf32> to vector<4xf32>
      %broadcast_in_dim3A_98 = vector.shape_cast %reduce_max3A_97 : vector<4xf32> to vector<4x1xf32>
      %max3A = arith.constant 0.000000e+00 : f32
      %max3A_99 = vector.broadcast %max3A : f32 to vector<4x64xf32>
      %max3A_100 = arith.maximumf %add3A_93, %max3A_99 : vector<4x64xf32>
      %abs3A = math.absf %add3A_93 : vector<4x64xf32>
      %neg3A = arith.constant 0.000000e+00 : f32
      %neg3A_101 = vector.broadcast %neg3A : f32 to vector<4x64xf32>
      %neg3A_102 = arith.subf %neg3A_101, %abs3A : vector<4x64xf32>
      %exp3A = math.exp %neg3A_102 : vector<4x64xf32>
      %log1p3A = math.log1p %exp3A : vector<4x64xf32>
      %add3A_103 = arith.addf %max3A_100, %log1p3A : vector<4x64xf32>
      %reduce_sum3A_104 = vector.shape_cast %add3A_103 : vector<4x64xf32> to vector<1x4x64xf32>
      %reduce_sum3A_105 = arith.constant dense<0.000000e+00> : vector<1xf32>
      %reduce_sum3A_106 = vector.multi_reduction <add>, %reduce_sum3A_104, %reduce_sum3A_105 [1, 2] : vector<1x4x64xf32> to vector<1xf32>
      %reduce_sum3A_107 = vector.shape_cast %reduce_sum3A_106 : vector<1xf32> to vector<1x1x1xf32>
      %reduce_sum3A_108 = vector.extract %reduce_sum3A_107[0, 0, 0] : f32 from vector<1x1x1xf32>
      %broadcast_in_dim3A_109 = vector.broadcast %reduce_sum3A_108 : f32 to vector<1x1xf32>
      %reduce_sum3A_110 = vector.shape_cast %broadcast_in_dim3A_98 : vector<4x1xf32> to vector<1x4x1xf32>
      %reduce_sum3A_111 = arith.constant dense<0.000000e+00> : vector<1xf32>
      %reduce_sum3A_112 = vector.multi_reduction <add>, %reduce_sum3A_110, %reduce_sum3A_111 [1, 2] : vector<1x4x1xf32> to vector<1xf32>
      %reduce_sum3A_113 = vector.shape_cast %reduce_sum3A_112 : vector<1xf32> to vector<1x1x1xf32>
      %reduce_sum3A_114 = vector.extract %reduce_sum3A_113[0, 0, 0] : f32 from vector<1x1x1xf32>
      %broadcast_in_dim3A_115 = vector.broadcast %reduce_sum3A_114 : f32 to vector<1x1xf32>
      %sub3A_116 = arith.subf %broadcast_in_dim3A_109, %broadcast_in_dim3A_115 : vector<1x1xf32>
      %mul3A_117 = arith.constant 3.906250e-03 : f32
      %mul3A_118 = vector.broadcast %mul3A_117 : f32 to vector<1x1xf32>
      %mul3A_119 = arith.mulf %sub3A_116, %mul3A_118 : vector<1x1xf32>
      %swap3A_120 = arith.constant 0 : index
      %swap3A_121 = arith.constant 0 : index
      %swap3A_122 = vector.load %arg8[%swap3A_120, %swap3A_121] : memref<1x1xf32, #tpu.memory_space<vmem>>, vector<1x1xf32>
      tpu.vector_store %arg8[%swap3A_120, %swap3A_121], %mul3A_119 {strides = array<i32>} : memref<1x1xf32, #tpu.memory_space<vmem>>, vector<1x1xf32>,
    } else {
    }
    return
  }
  func.func @transform_0(%arg0: i32) -> (i32, i32) {
    %c0_i32 = arith.constant 0 : i32
    %c0_i32_0 = arith.constant 0 : i32
    return %arg0, %c0_i32 : i32, i32
  }
  func.func @transform_1(%arg0: i32) -> (i32, i32) {
    %c0_i32 = arith.constant 0 : i32
    %c0_i32_0 = arith.constant 0 : i32
    %c0_i32_1 = arith.constant 0 : i32
    return %c0_i32, %c0_i32_0 : i32, i32
  }
  func.func @transform_2(%arg0: i32) -> (i32, i32) {
    %c0_i32 = arith.constant 0 : i32
    %c0_i32_0 = arith.constant 0 : i32
    %c0_i32_1 = arith.constant 0 : i32
    return %c0_i32, %c0_i32_0 : i32, i32
  }
  func.func @transform_3(%arg0: i32) -> (i32, i32) {
    %c0_i32 = arith.constant 0 : i32
    %c0_i32_0 = arith.constant 0 : i32
    %c0_i32_1 = arith.constant 0 : i32
    return %c0_i32, %c0_i32_0 : i32, i32
  }
  func.func @transform_4(%arg0: i32) -> (i32, i32) {
    %c0_i32 = arith.constant 0 : i32
    %c0_i32_0 = arith.constant 0 : i32
    %c0_i32_1 = arith.constant 0 : i32
    return %c0_i32, %c0_i32_0 : i32, i32
  }
  func.func @transform_5(%arg0: i32) -> (i32, i32) {
    %c0_i32 = arith.constant 0 : i32
    %c0_i32_0 = arith.constant 0 : i32
    %c0_i32_1 = arith.constant 0 : i32
    return %c0_i32, %c0_i32_0 : i32, i32
  }
  func.func @transform_6(%arg0: i32) -> (i32, i32) {
    %c0_i32 = arith.constant 0 : i32
    %c0_i32_0 = arith.constant 0 : i32
    %c0_i32_1 = arith.constant 0 : i32
    return %c0_i32, %c0_i32_0 : i32, i32
  }
  func.func @transform_7(%arg0: i32) -> (i32, i32) {
    %c0_i32 = arith.constant 0 : i32
    %c0_i32_0 = arith.constant 0 : i32
    %c0_i32_1 = arith.constant 0 : i32
    return %c0_i32, %c0_i32_0 : i32, i32
  }
  func.func @transform_8(%arg0: i32) -> (i32, i32) {
    %c0_i32 = arith.constant 0 : i32
    %c0_i32_0 = arith.constant 0 : i32
    %c0_i32_1 = arith.constant 0 : i32
    return %c0_i32, %c0_i32_0 : i32, i32
  }
}

</mosaic_0001>

<sc_bundles>
// kernel: kernel.4.cloned.1.call-start
scs
__scs_entry_jumppad:
0x0: {  	(pc) =	sbr.rel $0x88, $3  }
0x1: {  	(tag) =	ssettag $0x0;
	lr =	simm.s32 $0x1  }
0x2: {  	[smem:$0x3F98] =	sst lr;
	_ =	strace $0xD0000000  }
0x3: {  	_ = 	snop  }
0x4: {  	_ = 	snop  }
0x5: {  	_ = 	snop  }
0x6: {  	_ = 	snop  }
0x7: {  	_ = 	snop  }
__scs_overlays_trampoline_lowered:
0x8: {  	[smem:$0x3FA7] =	sst s0  }
0x9: {  	[smem:$0x3FA8] =	sst s1  }
0xa: {  	[smem:$0x3FA9] =	sst s2  }
0xb: {  	[smem:$0x3FAA] =	sst s3  }
0xc: {  	[smem:$0x3FAB] =	sst s4  }
0xd: {  	[smem:$0x3FAC] =	sst s5  }
0xe: {  	[smem:$0x3FAD] =	sst s6  }
0xf: {  	[smem:$0x3FAE] =	sst s7  }
0x10: {  	[smem:$0x3FAF] =	sst s8  }
0x11: {  	[smem:$0x3FB0] =	sst s9;
	s0 =	simm.s32 @!p0 $0x0  }
0x12: {  	s1 =	sld [smem:$0x3F96];
	s0 =	simm.s32 @p0 $0x1  }
0x13: {  	[smem:$0x3FB1] =	sst s0;
	s0 =	simm.s32 @!p1 $0x0  }
0x14: {  	s2 =	sld [smem:$0x3F95];
	s0 =	simm.s32 @p1 $0x1  }
0x15: {  	[smem:$0x3FB2] =	sst s0;
	s0 =	simm.s32 @!p2 $0x0  }
0x16: {  	s3 =	sld [smem:$0x3FDB];
	s0 =	simm.s32 @p2 $0x1  }
0x17: {  	s4 =	simm.s32 $0x1BF5;
	[smem:$0x3FB4] =	sst s0  }
0x18: {  	s0 =	sld [smem:$0x3F97];
	_ =	swait.ge [sflag:s4], $0x0  }
0x19: {  	s7 =	sld [smem:$0x3F98]  }
0x1a: {  	s8 =	sadd.s32 $0xFFFFE003, lr  }
0x1b: {  	s9 =	sadd.s32 $0xFFFFFEF7, lr;
	s5 =	simm.s32 $0xFFFFFFFF;
	p2 =	slt.u32 s8, $0xFFFFF086  }
0x1c: {  	p1 =	slt.u32 s9, $0xF7A;
	s5 =	simm.s32 @!p2 $0x0  }
0x1d: {  	s5 =	simm.s32 @p1 $0x1;
	p0 =	seq.s32 s7, s2  }
0x1e: {  	s7 =	smul.u32 @!p0 $0xF7A, s2;
	p2 =	seq.s32 @!p0 s5, $0x0  }
0x1f: {  	s9 =	smul.u32 $0xF7A, s1;
	s8 =	simm.s32 @!p0 $0x1BF5;
	p2 =	por !p2, p0  }
0x20: {  	[sflag:s8] =	ssyncset.s32 @!p0 $0xFFFFF086;
	s6 =	sadd.s32 @!p0 s3, s7;
	s7 =	simm.s32 @!p0 $0x108  }
0x21: {  	s3 =	sadd.s32 s3, s9;
	s6 =	sadd.s32 @!p0 $0x88, s6;
	s7 =	simm.s32 @p2 $0x1082  }
0x22: {  	[simem:s7], [sflag:s8] =	dma.local @!p0 [hbm:s6], $0xF7A  }
0x23: {  	s9 =	sor.u32 $0xD0000000, s2;
	s6 =	simm.s32 $0x108;
	_ =	swait.ge @!p0 [sflag:s8], $0x0  }
0x24: {  	s3 =	sadd.s32 $0x88, s3;
	s6 =	simm.s32 @!p1 $0x1082;
	[sflag:s4] =	ssyncset.s32 $0xFFFFF086  }
0x25: {  	[simem:s6], [sflag:s4] =	dma.local [hbm:s3], $0xF7A  }
0x26: {  	[smem:$0x3F98] =	sst s1;
	(tag) =	ssettag s2;
	_ =	strace s9  }
0x27: {  	s1 =	sld [smem:$0x3FA8]  }
0x28: {  	s2 =	sld [smem:$0x3FA9]  }
0x29: {  	s4 =	sld [smem:$0x3FAB]  }
0x2a: {  	p0 =	seq.s32 s5, $0x0;
	s5 =	sld [smem:$0x3FAC]  }
0x2b: {  	s6 =	sld [smem:$0x3FAD]  }
0x2c: {  	s7 =	sld [smem:$0x3FAE]  }
0x2d: {  	s3 =	simm.s32 $0x108;
	s8 =	sld [smem:$0x3FAF]  }
0x2e: {  	s3 =	simm.s32 @!p0 $0x1082;
	s9 =	sld [smem:$0x3FB0]  }
0x2f: {  	lr =	sadd.s32 s0, s3;
	s0 =	sld [smem:$0x3FA7]  }
0x30: {  	s3 =	sld [smem:$0x3FAA]  }
0x31: {  	[smem:$0x3FB3] =	sst s10  }
0x32: {  	s10 =	sld [smem:$0x3FB1];
	_ =	sdelay $0x3  }
0x33: {  	p0 =	seq.s32 s10, $0x1;
	s10 =	sld [smem:$0x3FB3];
	_ =	sdelay $0x3  }
0x34: {  	[smem:$0x3FB3] =	sst s10  }
0x35: {  	s10 =	sld [smem:$0x3FB2];
	_ =	sdelay $0x3  }
0x36: {  	p1 =	seq.s32 s10, $0x1;
	s10 =	sld [smem:$0x3FB3];
	_ =	sdelay $0x3  }
0x37: {  	[smem:$0x3FB3] =	sst s10  }
0x38: {  	s10 =	sld [smem:$0x3FB4]  }
0x39: {  	_ = 	snop;
	(pc) =	sbr.ind lr, $3  }
0x3a: {  	_ = 	snop  }
0x3b: {  	_ = 	snop  }
0x3c: {  	p2 =	seq.s32 s10, $0x1;
	s10 =	sld [smem:$0x3FB3]  }
0x3d: {  	_ =	shalt  }
0x3e: {  	_ =	shalt  }
0x3f: {  	_ =	shalt  }
0x40: {  	_ =	shalt  }
0x41: {  	_ =	shalt  }
0x42: {  	_ =	shalt  }
0x43: {  	_ =	shalt  }
0x44: {  	_ =	shalt  }
0x45: {  	_ =	shalt  }
0x46: {  	_ =	shalt  }
0x47: {  	_ =	shalt  }
0x48: {  	_ =	shalt  }
0x49: {  	_ =	shalt  }
0x4a: {  	_ =	shalt  }
0x4b: {  	_ =	shalt  }
0x4c: {  	_ =	shalt  }
0x4d: {  	_ =	shalt  }
0x4e: {  	_ =	shalt  }
0x4f: {  	_ =	shalt  }
0x50: {  	_ =	shalt  }
0x51: {  	_ =	shalt  }
0x52: {  	_ =	shalt  }
0x53: {  	_ =	shalt  }
0x54: {  	_ =	shalt  }
0x55: {  	_ =	shalt  }
0x56: {  	_ =	shalt  }
0x57: {  	_ =	shalt  }
0x58: {  	_ =	shalt  }
0x59: {  	_ =	shalt  }
0x5a: {  	_ =	shalt  }
0x5b: {  	_ =	shalt  }
0x5c: {  	_ =	shalt  }
0x5d: {  	_ =	shalt  }
0x5e: {  	_ =	shalt  }
0x5f: {  	_ =	shalt  }
0x60: {  	_ =	shalt  }
0x61: {  	_ =	shalt  }
0x62: {  	_ =	shalt  }
0x63: {  	_ =	shalt  }
0x64: {  	_ =	shalt  }
0x65: {  	_ =	shalt  }
0x66: {  	_ =	shalt  }
0x67: {  	_ =	shalt  }
0x68: {  	_ =	shalt  }
0x69: {  	_ =	shalt  }
0x6a: {  	_ =	shalt  }
0x6b: {  	_ =	shalt  }
0x6c: {  	_ =	shalt  }
0x6d: {  	_ =	shalt  }
0x6e: {  	_ =	shalt  }
0x6f: {  	_ =	shalt  }
0x70: {  	_ =	shalt  }
0x71: {  	_ =	shalt  }
0x72: {  	_ =	shalt  }
0x73: {  	_ =	shalt  }
0x74: {  	_ =	shalt  }
0x75: {  	_ =	shalt  }
0x76: {  	_ =	shalt  }
0x77: {  	_ =	shalt  }
0x78: {  	_ =	shalt  }
0x79: {  	_ =	shalt  }
0x7a: {  	_ =	shalt  }
0x7b: {  	_ =	shalt  }
0x7c: {  	_ =	shalt  }
0x7d: {  	_ =	shalt  }
0x7e: {  	_ =	shalt  }
0x7f: {  	_ =	shalt  }
0x80: {  	_ =	shalt  }
0x81: {  	_ =	shalt  }
0x82: {  	_ =	shalt  }
0x83: {  	_ =	shalt  }
0x84: {  	_ =	shalt  }
0x85: {  	_ =	shalt  }
0x86: {  	_ =	shalt  }
0x87: {  	_ =	shalt  }
.Lfunc_end0:
.L_simem_size_0:
called_computation_lowered:
.L_overlay_start_0:
0x88: {  	s2 =	sld [smem:$0x3FD9]  }
0x89: {  	s3 =	sld [smem:$0x3FFE];
	_ =	sdelay $0x1  }
0x8a: {  	s1 =	srdreg.scid  }
0x8b: {  	s0 =	sand.u32 $0x1, s1  }
0x8c: {  	s14 =	sshll.u32 s0, $0xA;
	s2 =	sadd.s32 s3, s2  }
0x8d: {  	s2 =	sadd.s32 s2, s14  }
0x8e: {  	[smem:$0x3FBF] =	sst s2  }
0x8f: {  	_ = 	snop  }
0x90: {  	s2 =	sld [smem:$0x3FD0];
	_ =	sdelay $0x2  }
0x91: {  	s15 =	simm.s32 $0xA;
	s4 =	simm.s32 $0x10  }
0x92: {  	[smem:s4], [sflag:s15] =	dma.local [hbm:s2], $0x1  }
0x93: {  	_ =	swait.eq [sflag:s15], $0x1  }
0x94: {  	[sflag:s15] =	ssyncset.done $0x0  }
0x95: {  	[sflag:s15] =	ssyncadd.s32 $0xFFFFFFFF  }
0x96: {  	s16 =	sld [smem:$0x11];
	(tm) =	ssettm $0x1  }
0x97: {  	s17 =	sld [smem:$0x3FFB];
	_ =	sdelay $0x3  }
0x98: {  	_ =	strace s17  }
0x99: {  	s3 =	sld [smem:$0x3FFC];
	_ =	sdelay $0x3  }
0x9a: {  	_ =	strace s3  }
0x9b: {  	s3 =	sld [smem:$0x3FFD];
	_ =	sdelay $0x3  }
0x9c: {  	_ =	strace s3  }
0x9d: {  	_ =	strace $0x8FFFFFFF  }
0x9e: {  	s18 =	sld [smem:$0x3FDB];
	_ =	sdelay $0x1  }
0x9f: {  	s19 =	simm.s32 $_scs_section_size  }
0xa0: {  	s5 =	simm.s32 $_size__tile_overlayer_lowered;
	s6 =	simm.s32 $_tile_overlayer_lowered  }
0xa1: {  	s22 =	simm.s32 $0x1BFF;
	s21 =	sshll.u32 s6, $0x1;
	s3 =	sadd.s32 s19, s18  }
0xa2: {  	s7 =	simm.s32 $0x0;
	s20 =	sshll.u32 s5, $0x1;
	s5 =	sadd.s32 s21, s3  }
0xa3: {  	[timem:s7], [sflag:s22] =	dma.local [hbm:s5], s20  }
0xa4: {  	_ =	swait.ge [sflag:s22], s20  }
0xa5: {  	s4 =	ssub.s32 $0x0, s20;
	[sflag:s22] =	ssyncset.done $0x0  }
0xa6: {  	[sflag:s22] =	ssyncadd.s32 s4;
	_ =	sdelay $0x1  }
0xa7: {  	s23 =	simm.s32 $0x1B8B  }
0xa8: {  	_ =	swait.ge [sflag:s23], $0x1  }
0xa9: {  	[sflag:s23] =	ssyncset.done $0x0  }
0xaa: {  	s25 =	simm.s32 $0x1B8E;
	s24 =	sld [smem:$0x3FFE];
	[sflag:s23] =	ssyncadd.s32 $0xFFFFFFFF  }
0xab: {  	s26 =	simm.s32 $execute0_lowered;
	[smem:$0x3FD2] =	sst s25  }
0xac: {  	s5 =	sshll.u32 s26, $0x1;
	_ =	strace $0x80000046;
	[dreg:$0x1] =	wrdreg $0xFFFFFFFF  }
0xad: {  	s28 =	simm.s32 $_size_execute0_lowered;
	s3 =	sadd.s32 s3, s5;
	[dreg:$0x0] =	wrdreg $0x0  }
0xae: {  	s5 =	sshll.u32 s28, $0x1;
	[dreg:$0x2] =	wrdreg s3  }
0xaf: {  	[dreg:$0x3] =	wrdreg s5  }
0xb0: {  	[dreg:$0x4] =	wrdreg $0xC0  }
0xb1: {  	_ =	task [dreg:s7], $0x5FFFF  }
0xb2: {  	[dreg:$0x1] =	wrdreg $0xFFFFFFFF  }
0xb3: {  	[dreg:$0x0] =	wrdreg $0x60  }
0xb4: {  	[dreg:$0x2] =	wrdreg s24  }
0xb5: {  	[dreg:$0x3] =	wrdreg s16  }
0xb6: {  	[dreg:$0x4] =	wrdreg $0x9  }
0xb7: {  	_ =	task.clear_ibuf [dreg:s7], $0x5FFFF;
	_ =	strace $0x90000046  }
0xb8: {  	s29 =	simm.s32 $0x9;
	_ =	strace $0x80000048  }
0xb9: {  	_ =	swait.ge [sflag:s29], $0x1  }
0xba: {  	[sflag:s29] =	ssyncadd.s32 $0xFFFFFFFF  }
0xbb: {  	_ =	strace $0x90000048  }
0xbc: {  	_ =	sfence  }
0xbd: {  	s30 =	sld [smem:$0x0];
	_ =	sdelay $0x2  }
0xbe: {  	s31 =	sshll.u32 s1, $0xD;
	s1 =	sshrl.u32 s1, $0x2  }
0xbf: {  	s3 =	sand.u32 $0x4000, s31;
	s1 =	sadd.s32 s1, s30  }
0xc0: {  	s0 =	sor.u32 s3, s0;
	s1 =	sshll.u32 s1, $0x11  }
0xc1: {  	s0 =	sor.u32 s1, s0  }
0xc2: {  	s0 =	sadd.s32 $0x8F2B, s0  }
0xc3: {  	[sflag:s0] =	ssyncadd.remote.s32 $0x1  }
0xc4: {  	_ =	sfence.sel $0xFFFF  }
0xc5: {  	[dreg:$0x0] =	wrdreg $0xFFFFFFFF;
	(pc) =	sbr.abs _section_cstart, $3  }
0xc6: {  	[dreg:$0x1] =	wrdreg $0xFFFFFFFF  }
0xc7: {  	_ =	task.clear_ibuf [dreg:s7], $0x2FFFF;
	_ =	strace $0x9FFFFFFF  }
0xc8: {  	(tm) =	ssettm $0x7FFFFFFF  }
0xc9: {  	_ =	shalt  }
tec
execute0_lowered:
.L_overlay_start_1:
0x0: {  	(tag) =	ssettag $0x1  }
0x1: {  	s2 =	rddreg [dreg:$0x0]  }
0x2: {  	s1 =	rddreg [dreg:$0x1]  }
0x3: {  	s0 =	rddreg [dreg:$0x2];
	_ =	strace $0x80000047  }
0x4: {  	s3 =	simm.s32 $0x0;
	s4 =	simm.s32 $0x1;
	s2 =	sadd.s32 $0x800, s2  }
0x5: {  	[tilespmem:s3], [sflag:$0x1] =	stream.linear.gather [hbm4b:s2+s3], $0x100, $0x38;
	[tilespmem:$0x180] =	vst v63  }
0x6: {  	_ =	swait.ge [sflag:s4], $0x100  }
0x7: {  	[sflag:s4] =	ssyncset.done $0x0  }
0x8: {  	[sflag:s4] =	ssyncadd.s32 $0xFFFFFF00  }
0x9: {  	v9 =	vld [tilespmem:$0xE0]  }
0xa: {  	v10 =	vld [tilespmem:$0xF0]  }
0xb: {  	v11 =	vld [tilespmem:$0x70]  }
0xc: {  	v0 =	vimm.s32 $0xEFCDAB89;
	v12 =	vld [tilespmem:$0xD0]  }
0xd: {  	v1 =	vimm.s32 $0x67452301;
	v3 =	vimm.s32 $0xBA98FEDC;
	v13 =	vld [tilespmem:$0xC0]  }
0xe: {  	v4 =	vimm.s32 $0x32107654;
	v0 =	vunpack.c.l.s4.s8 v0;
	v1 =	vunpack.c.l.s4.s8 v1;
	v14 =	vld [tilespmem:$0xB0]  }
0xf: {  	v3 =	vunpack.c.l.s4.s8 v3;
	v4 =	vunpack.c.l.s4.s8 v4;
	v17 =	vld [tilespmem:$0x90]  }
0x10: {  	v2 =	vimm.s32 $0xDCFE98BA;
	v0 =	vunpack.c.0.s8.s32 v0;
	v1 =	vunpack.c.0.s8.s32 v1;
	v18 =	vld [tilespmem:$0x0]  }
0x11: {  	v5 =	vimm.s32 $0xFEDCBA98;
	v3 =	vunpack.c.0.s8.s32 v3;
	v4 =	vunpack.c.0.s8.s32 v4;
	v19 =	vld [tilespmem:$0x50]  }
0x12: {  	v0 =	vcombine.low v1, v0;
	v1 =	vunpack.c.l.s4.s8 v2;
	v2 =	vimm.s32 $0x54761032;
	v20 =	vld [tilespmem:$0x80]  }
0x13: {  	v5 =	vunpack.c.l.s4.s8 v5;
	v2 =	vunpack.c.l.s4.s8 v2;
	v21 =	vld [tilespmem:$0x40]  }
0x14: {  	v3 =	vcombine.low v4, v3;
	v22 =	vld [tilespmem:$0x10]  }
0x15: {  	v4 =	vunpack.c.0.s8.s32 v5;
	v15 =	vld [tilespmem:$0x60];
	v1 =	vunpack.c.0.s8.s32 v1;
	v2 =	vunpack.c.0.s8.s32 v2  }
0x16: {  	v6 =	vimm.s32 $0x76543210;
	v16 =	vld [tilespmem:$0xA0]  }
0x17: {  	v23 =	vld [tilespmem:$0x20];
	v0 =	vand.u32 $0xF, v0;
	v4 =	vand.u32 $0xF, v4;
	v1 =	vcombine.low v2, v1  }
0x18: {  	v24 =	vld [tilespmem:$0x30];
	v2 =	vunpack.c.l.s4.s8 v6;
	v7 =	vmax.f32 v13, v12;
	v25 =	vmax.f32 v21, v19  }
0x19: {  	v26 =	vmax.f32 v20, v17;
	v27 =	vmax.f32 v18, v22;
	v6 =	vmax.f32 v7, v9  }
0x1a: {  	v1 =	vand.u32 $0xF, v1;
	v5 =	vunpack.c.0.s8.s32 v2;
	v2 =	vand.u32 $0xF, v3  }
0x1b: {  	v3 =	vlaneseq.u32;
	v25 =	vmax.f32 v25, v15;
	v6 =	vmax.f32 v6, v10  }
0x1c: {  	v26 =	vmax.f32 v26, v16;
	v27 =	vmax.f32 v27, v23;
	v7 =	vperm.xlane v6, v0  }
0x1d: {  	v25 =	vmax.f32 v25, v11;
	v26 =	vmax.f32 v26, v14;
	v27 =	vmax.f32 v27, v24  }
0x1e: {  	v4 =	vcombine.low v4, v5;
	v30 =	vperm.xlane v26, v0;
	v7 =	vmax.f32 v6, v7  }
0x1f: {  	v5 =	vor.u32 $0x30, v3;
	v28 =	vperm.xlane v25, v0;
	v8 =	vperm.xlane v7, v1  }
0x20: {  	v29 =	vperm.xlane v27, v0;
	v6 =	vor.u32 $0x20, v3;
	v26 =	vmax.f32 v26, v30  }
0x21: {  	v25 =	vmax.f32 v25, v28;
	v58 =	vperm.xlane v26, v1;
	v7 =	vmax.f32 v7, v8  }
0x22: {  	v27 =	vmax.f32 v27, v29;
	v28 =	vperm.xlane v25, v1;
	v31 =	vperm.xlane v7, v2  }
0x23: {  	v57 =	vperm.xlane v27, v1;
	v8 =	vor.u32 $0x10, v3;
	v26 =	vmax.f32 v26, v58  }
0x24: {  	v25 =	vmax.f32 v25, v28;
	v32 =	vperm.xlane v26, v2;
	v56 =	vmax.f32 v7, v31  }
0x25: {  	v27 =	vmax.f32 v27, v57;
	v60 =	vperm.xlane v25, v2;
	v59 =	vperm.xlane v56, v4  }
0x26: {  	v61 =	vperm.xlane v27, v2;
	v7 =	vimm.s32 $0x1;
	v26 =	vmax.f32 v26, v32  }
0x27: {  	v25 =	vmax.f32 v25, v60;
	v62 =	vperm.xlane v26, v4;
	v28 =	vmax.f32 v56, v59  }
0x28: {  	vm1 =	veq.f32 v9, v28;
	vm0 =	veq.f32 v10, v28;
	v9 =	vmax.f32 v27, v61  }
0x29: {  	v10 =	vperm.xlane v25, v4;
	vm2 =	veq.f32 v12, v28;
	v27 =	vperm.xlane v9, v4  }
0x2a: {  	v63 =	vnsel vm0, $0x270F, v5;
	vm0 =	veq.f32 v13, v28;
	v13 =	vmax.f32 v26, v62  }
0x2b: {  	v12 =	vsel vm1, v6, v63;
	v10 =	vmax.f32 v25, v10;
	vm1 =	veq.f32 v17, v13  }
0x2c: {  	vm3 =	veq.f32 v14, v13;
	vm5 =	veq.f32 v16, v13;
	vm6 =	veq.f32 v20, v13  }
0x2d: {  	v9 =	vmax.f32 v9, v27;
	vm4 =	veq.f32 v19, v10;
	v14 =	vnsel vm3, $0x270F, v5  }
0x2e: {  	vm3 =	veq.f32 v11, v10;
	vm7 =	veq.f32 v18, v9;
	vm8 =	veq.f32 v22, v9  }
0x2f: {  	vm9 =	veq.f32 v24, v9;
	v11 =	vnsel vm3, $0x270F, v5;
	vm3 =	veq.f32 v15, v10  }
0x30: {  	vm15 =	veq.f32 v23, v9;
	v13 =	vnsel vm9, $0x270F, v5;
	v9 =	vsel vm3, v6, v11  }
0x31: {  	vm3 =	veq.f32 v21, v10;
	v10 =	vsel vm15, v6, v13;
	v9 =	vsel vm4, v8, v9  }
0x32: {  	v11 =	vsel vm5, v6, v14;
	v10 =	vsel vm8, v8, v10;
	v9 =	vsel vm3, v3, v9  }
0x33: {  	v11 =	vsel vm1, v8, v11;
	v10 =	vsel vm7, v3, v10;
	v13 =	vperm.xlane v9, v0  }
0x34: {  	v12 =	vsel vm2, v8, v12;
	v11 =	vsel vm6, v3, v11;
	v14 =	vperm.xlane v10, v0  }
0x35: {  	v12 =	vsel vm0, v3, v12;
	v15 =	vperm.xlane v11, v0;
	vm0 =	vlt.s32 v9, v13  }
0x36: {  	v16 =	vperm.xlane v12, v0;
	vm1 =	vlt.s32 v10, v14;
	v9 =	vsel vm0, v9, v13  }
0x37: {  	vm0 =	vlt.s32 v11, v15;
	v10 =	vsel vm1, v10, v14;
	v13 =	vperm.xlane v9, v1  }
0x38: {  	vm1 =	vlt.s32 v12, v16;
	v11 =	vsel vm0, v11, v15;
	v14 =	vperm.xlane v10, v1  }
0x39: {  	v12 =	vsel vm1, v12, v16;
	v15 =	vperm.xlane v11, v1;
	vm0 =	vlt.s32 v9, v13  }
0x3a: {  	s5 =	srdreg.scid;
	v16 =	vperm.xlane v12, v1;
	vm1 =	vlt.s32 v10, v14;
	v9 =	vsel vm0, v9, v13  }
0x3b: {  	s7 =	sand.u32 $0x1, s5;
	vm0 =	vlt.s32 v11, v15;
	v10 =	vsel vm1, v10, v14;
	v13 =	vperm.xlane v9, v2  }
0x3c: {  	s5 =	ssub.s32 $0x2, s7;
	v11 =	vsel vm0, v11, v15;
	vm0 =	vlt.s32 v12, v16;
	v14 =	vperm.xlane v10, v2  }
0x3d: {  	s6 =	sshrl.u32 s5, $0x1;
	v15 =	vperm.xlane v11, v2;
	v12 =	vsel vm0, v12, v16;
	vm1 =	vlt.s32 v9, v13  }
0x3e: {  	s5 =	ssub.s32 s5, s6;
	vm0 =	vlt.s32 v10, v14;
	v16 =	vsel vm1, v9, v13;
	v13 =	vperm.xlane v12, v2  }
0x3f: {  	s6 =	smax.u32 s5, $0x1;
	v10 =	vsel vm0, v10, v14;
	v17 =	vperm.xlane v16, v4;
	vm0 =	vlt.s32 v11, v15  }
0x40: {  	s6 =	sadd.s32 $0xFFFFFFFF, s6;
	v18 =	vperm.xlane v10, v4;
	v15 =	vsel vm0, v11, v15;
	vm0 =	vlt.s32 v12, v13  }
0x41: {  	p1 =	sne.s32 s6, $0x0;
	v9 =	vimm.s32 $0x0;
	v19 =	vperm.xlane v15, v4;
	v13 =	vsel vm0, v12, v13  }
.Ltmp0:
0x42: {  	vm0 =	vlt.s32 v16, v17;
	vm1 =	vlt.s32 v10, v18;
	v14 =	vperm.xlane v13, v4;
	(pc) =	sbr.rel @!p1 .LBB2_2-.Ltmp0, $4  }
0x43: {  	v11 =	vsel vm0, v16, v17;
	v12 =	vsel vm1, v10, v18;
	vm0 =	vlt.s32 v15, v19  }
0x44: {  	s5 =	stileid.u32;
	v10 =	vsel vm0, v15, v19;
	vm1 =	vlt.s32 v13, v14;
	vm0 =	veq.s32 v12, v11  }
0x45: {  	s7 =	ssub.s32 $0x0, s7;
	s8 =	sshll.u32 s5, $0x1;
	v16 =	vsel vm0, $0x2, v7;
	vm0 =	veq.s32 v12, v10;
	vm2 =	veq.s32 v11, v10  }
0x46: {  	p0 =	sne.s32 s8, s7;
	v15 =	vsel vm0, $0x1, v9;
	v17 =	vsel vm2, $0x1, v9;
	vm0 =	vlt.s32 v11, v12  }
.LBB2_1:
0x47: {  	s6 =	sadd.s32 $0xFFFFFFFF, s6;
	v13 =	vsel vm1, v13, v14;
	v14 =	vsel vm2, $0x2, v7  }
0x48: {  	p1 =	sne.s32 s6, $0x0;
	vm1 =	veq.s32 v12, v13;
	vm2 =	veq.s32 v11, v13;
	vm3 =	veq.s32 v10, v13  }
0x49: {  	v14 =	vadd.s32 v15, v14;
	v18 =	vsel vm3, $0x1, v9  }
0x4a: {  	v19 =	vsel vm2, $0x1, v9  }
0x4b: {  	v15 =	vadd.s32 v15, v16;
	v16 =	vadd.s32 v17, v16;
	v20 =	vsel vm1, $0x1, v9  }
0x4c: {  	v15 =	vadd.s32 v20, v15;
	v16 =	vadd.s32 v19, v16;
	v17 =	vadd.s32 v19, v20  }
0x4d: {  	v17 =	vadd.s32 v18, v17;
	vm1 =	vgt.u32 v16, v15;
	vm2 =	veq.s32 v16, v15  }
0x4e: {  	vm0 =	vmand vm0, vm2  }
0x4f: {  	vm0 =	vmor vm1, vm0  }
0x50: {  	v14 =	vadd.s32 v18, v14;
	v11 =	vsel vm0, v11, v12;
	v12 =	vsel vm0, v16, v15  }
0x51: {  	vm0 =	veq.s32 v14, v12;
	vm1 =	vlt.s32 v10, v11  }
0x52: {  	vm2 =	vgt.u32 v14, v12;
	vm0 =	vmand vm0, vm1  }
0x53: {  	vm0 =	vmor vm2, vm0  }
0x54: {  	v15 =	vadd.s32 $0x1, v17;
	v10 =	vsel vm0, v10, v11;
	v11 =	vsel vm0, v14, v12  }
0x55: {  	vm0 =	veq.s32 v15, v11;
	vm1 =	vlt.s32 v13, v10  }
0x56: {  	vm2 =	vge.u32 v17, v11;
	vm0 =	vmand vm0, vm1  }
0x57: {  	vm0 =	vmor vm2, vm0  }
0x58: {  	v10 =	vsel vm0, v13, v10  }
0x59: {  	s7 =	simm.s32 @!p0 $0x0;
	s8 =	simm.s32 @!p0 $0x100;
	s9 =	simm.s32 @!p0 $0x1;
	[tilespmem:$0x100] =	vst v10  }
0x5a: {  	[hbm4b:s1+s7] =	stream.linear.scatter @!p0 [tilespmem:s8], [sflag:$0x1], $0x80, $0x38;
	[tilespmem:$0x180] =	vst v63  }
0x5b: {  	_ =	swait.ge @!p0 [sflag:s9], $0x80  }
0x5c: {  	[sflag:s9] =	ssyncset.done @!p0 $0x0  }
0x5d: {  	[sflag:s9] =	ssyncadd.s32 @!p0 $0xFFFFFF80  }
0x5e: {  	[tilespmem:s3], [sflag:$0x1] =	stream.linear.gather [hbm4b:s2+s3], $0x100, $0x38;
	[tilespmem:$0x180] =	vst v63  }
0x5f: {  	_ =	swait.ge [sflag:s4], $0x100  }
0x60: {  	[sflag:s4] =	ssyncset.done $0x0  }
0x61: {  	[sflag:s4] =	ssyncadd.s32 $0xFFFFFF00  }
0x62: {  	v10 =	vld [tilespmem:$0xE0]  }
0x63: {  	v11 =	vld [tilespmem:$0xF0]  }
0x64: {  	v12 =	vld [tilespmem:$0x70]  }
0x65: {  	v13 =	vld [tilespmem:$0xD0]  }
0x66: {  	v14 =	vld [tilespmem:$0xC0]  }
0x67: {  	v15 =	vld [tilespmem:$0xB0]  }
0x68: {  	v16 =	vld [tilespmem:$0x60]  }
0x69: {  	v17 =	vld [tilespmem:$0xA0]  }
0x6a: {  	v18 =	vld [tilespmem:$0x90]  }
0x6b: {  	v19 =	vld [tilespmem:$0x0];
	v20 =	vmax.f32 v14, v13  }
0x6c: {  	v21 =	vld [tilespmem:$0x50];
	v20 =	vmax.f32 v20, v10  }
0x6d: {  	v22 =	vld [tilespmem:$0x80];
	v20 =	vmax.f32 v20, v11  }
0x6e: {  	v23 =	vld [tilespmem:$0x40];
	v24 =	vperm.xlane v20, v0  }
0x6f: {  	v25 =	vld [tilespmem:$0x10]  }
0x70: {  	v26 =	vld [tilespmem:$0x20];
	v20 =	vmax.f32 v20, v24  }
0x71: {  	v24 =	vld [tilespmem:$0x30];
	v27 =	vperm.xlane v20, v1  }
0x72: {  	v28 =	vmax.f32 v22, v18  }
0x73: {  	v29 =	vmax.f32 v23, v21;
	v28 =	vmax.f32 v28, v17  }
0x74: {  	v30 =	vmax.f32 v19, v25;
	v29 =	vmax.f32 v29, v16;
	v28 =	vmax.f32 v28, v15  }
0x75: {  	v20 =	vmax.f32 v20, v27;
	v30 =	vmax.f32 v30, v26;
	v29 =	vmax.f32 v29, v12  }
0x76: {  	v31 =	vperm.xlane v20, v2;
	v27 =	vmax.f32 v30, v24;
	v30 =	vperm.xlane v29, v0  }
0x77: {  	v33 =	vperm.xlane v28, v0;
	v32 =	vperm.xlane v27, v0  }
0x78: {  	v20 =	vmax.f32 v20, v31;
	v29 =	vmax.f32 v29, v30  }
0x79: {  	v28 =	vmax.f32 v28, v33;
	v27 =	vmax.f32 v27, v32;
	v30 =	vperm.xlane v29, v1  }
0x7a: {  	v32 =	vperm.xlane v28, v1;
	v31 =	vperm.xlane v27, v1  }
0x7b: {  	v29 =	vmax.f32 v29, v30;
	v30 =	vperm.xlane v20, v4  }
0x7c: {  	v28 =	vmax.f32 v28, v32;
	v27 =	vmax.f32 v27, v31;
	v31 =	vperm.xlane v29, v2  }
0x7d: {  	v33 =	vperm.xlane v28, v2;
	v32 =	vperm.xlane v27, v2;
	v20 =	vmax.f32 v20, v30  }
0x7e: {  	v29 =	vmax.f32 v29, v31;
	vm0 =	veq.f32 v10, v20;
	vm1 =	veq.f32 v11, v20  }
0x7f: {  	v10 =	vmax.f32 v27, v32;
	v11 =	vperm.xlane v29, v4;
	v27 =	vmax.f32 v28, v33  }
0x80: {  	v31 =	vnsel vm1, $0x270F, v5;
	v28 =	vperm.xlane v10, v4;
	v30 =	vperm.xlane v27, v4  }
0x81: {  	vm2 =	veq.f32 v13, v20;
	vm1 =	veq.f32 v14, v20;
	v13 =	vsel vm0, v6, v31  }
0x82: {  	v11 =	vmax.f32 v29, v11;
	v10 =	vmax.f32 v10, v28;
	v14 =	vmax.f32 v27, v30  }
0x83: {  	v13 =	vsel vm2, v8, v13;
	vm0 =	veq.f32 v18, v14;
	vm3 =	veq.f32 v15, v14  }
0x84: {  	vm2 =	veq.f32 v21, v11;
	vm4 =	veq.f32 v17, v14;
	v15 =	vnsel vm3, $0x270F, v5  }
0x85: {  	vm5 =	veq.f32 v22, v14;
	vm3 =	veq.f32 v12, v11;
	v12 =	vsel vm1, v3, v13  }
0x86: {  	vm7 =	veq.f32 v23, v11;
	vm6 =	veq.f32 v25, v10;
	vm1 =	veq.f32 v19, v10  }
0x87: {  	vm9 =	veq.f32 v16, v11;
	vm8 =	veq.f32 v24, v10;
	v11 =	vnsel vm3, $0x270F, v5  }
0x88: {  	vm3 =	veq.f32 v26, v10;
	v10 =	vnsel vm8, $0x270F, v5;
	v11 =	vsel vm9, v6, v11  }
0x89: {  	v13 =	vsel vm4, v6, v15;
	v10 =	vsel vm3, v6, v10;
	v11 =	vsel vm2, v8, v11  }
0x8a: {  	v13 =	vsel vm0, v8, v13;
	v10 =	vsel vm6, v8, v10;
	v11 =	vsel vm7, v3, v11  }
0x8b: {  	v13 =	vsel vm5, v3, v13;
	v10 =	vsel vm1, v3, v10;
	v14 =	vperm.xlane v11, v0  }
0x8c: {  	v16 =	vperm.xlane v12, v0;
	v15 =	vperm.xlane v10, v0  }
0x8d: {  	v17 =	vperm.xlane v13, v0;
	vm0 =	vlt.s32 v11, v14  }
0x8e: {  	vm1 =	vlt.s32 v10, v15;
	v11 =	vsel vm0, v11, v14;
	vm0 =	vlt.s32 v12, v16  }
0x8f: {  	v10 =	vsel vm1, v10, v15;
	vm1 =	vlt.s32 v13, v17;
	v14 =	vperm.xlane v11, v1  }
0x90: {  	v15 =	vperm.xlane v10, v1;
	v13 =	vsel vm1, v13, v17;
	v12 =	vsel vm0, v12, v16  }
0x91: {  	v16 =	vperm.xlane v13, v1;
	v17 =	vperm.xlane v12, v1;
	vm0 =	vlt.s32 v11, v14  }
0x92: {  	vm1 =	vlt.s32 v10, v15;
	v11 =	vsel vm0, v11, v14  }
0x93: {  	v10 =	vsel vm1, v10, v15;
	vm0 =	vlt.s32 v13, v16;
	v14 =	vperm.xlane v11, v2  }
0x94: {  	v15 =	vperm.xlane v10, v2;
	v13 =	vsel vm0, v13, v16;
	vm0 =	vlt.s32 v12, v17  }
0x95: {  	v16 =	vperm.xlane v13, v2;
	v12 =	vsel vm0, v12, v17;
	vm1 =	vlt.s32 v11, v14  }
0x96: {  	vm0 =	vlt.s32 v10, v15;
	v11 =	vsel vm1, v11, v14;
	v14 =	vperm.xlane v12, v2  }
0x97: {  	v10 =	vsel vm0, v10, v15;
	vm0 =	vlt.s32 v13, v16;
	v15 =	vperm.xlane v11, v4  }
0x98: {  	v17 =	vperm.xlane v10, v4;
	v16 =	vsel vm0, v13, v16;
	vm0 =	vlt.s32 v12, v14  }
0x99: {  	v18 =	vperm.xlane v16, v4;
	vm1 =	vlt.s32 v11, v15;
	v13 =	vsel vm0, v12, v14  }
.Ltmp1:
0x9a: {  	vm0 =	vlt.s32 v10, v17;
	v11 =	vsel vm1, v11, v15;
	v14 =	vperm.xlane v13, v4;
	(pc) =	sbr.rel @p1 .LBB2_1-.Ltmp1, $4  }
0x9b: {  	v12 =	vsel vm0, v10, v17;
	vm0 =	vlt.s32 v16, v18  }
0x9c: {  	v10 =	vsel vm0, v16, v18;
	vm0 =	veq.s32 v12, v11;
	vm1 =	vlt.s32 v13, v14  }
0x9d: {  	v16 =	vsel vm0, $0x2, v7;
	vm0 =	veq.s32 v12, v10;
	vm2 =	veq.s32 v11, v10  }
0x9e: {  	v15 =	vsel vm0, $0x1, v9;
	v17 =	vsel vm2, $0x1, v9;
	vm0 =	vlt.s32 v11, v12  }
.LBB2_2:
0x9f: {  	v0 =	vsel vm1, v13, v14  }
0xa0: {  	v2 =	vadd.s32 v15, v16;
	vm1 =	veq.s32 v11, v0;
	vm3 =	veq.s32 v12, v0  }
0xa1: {  	v3 =	vadd.s32 v17, v16;
	v1 =	vsel vm1, $0x1, v9;
	v4 =	vsel vm3, $0x1, v9  }
0xa2: {  	v2 =	vadd.s32 v4, v2;
	v3 =	vadd.s32 v1, v3  }
0xa3: {  	v5 =	vsel vm2, $0x2, v7;
	vm9 =	veq.s32 v3, v2  }
0xa4: {  	vm10 =	veq.s32 v10, v0;
	vm11 =	vgt.u32 v3, v2;
	vm0 =	vmand vm0, vm9  }
0xa5: {  	v5 =	vadd.s32 v15, v5;
	v6 =	vsel vm10, $0x1, v9;
	vm0 =	vmor vm11, vm0  }
0xa6: {  	v5 =	vadd.s32 v6, v5;
	v61 =	vsel vm0, v11, v12;
	v2 =	vsel vm0, v3, v2  }
0xa7: {  	vm0 =	veq.s32 v5, v2;
	vm12 =	vlt.s32 v10, v61  }
0xa8: {  	v1 =	vadd.s32 v1, v4;
	vm13 =	vgt.u32 v5, v2;
	vm0 =	vmand vm0, vm12  }
0xa9: {  	v1 =	vadd.s32 v6, v1;
	vm0 =	vmor vm13, vm0  }
0xaa: {  	v62 =	vadd.s32 $0x1, v1;
	v63 =	vsel vm0, v10, v61;
	v2 =	vsel vm0, v5, v2  }
0xab: {  	vm0 =	veq.s32 v62, v2;
	vm14 =	vlt.s32 v0, v63  }
0xac: {  	vm15 =	vge.u32 v1, v2;
	vm0 =	vmand vm0, vm14  }
0xad: {  	vm0 =	vmor vm15, vm0  }
0xae: {  	v0 =	vsel vm0, v0, v63  }
0xaf: {  	s2 =	simm.s32 @!p0 $0x0;
	s3 =	simm.s32 @!p0 $0x100;
	s4 =	simm.s32 @!p0 $0x1;
	[tilespmem:$0x100] =	vst v0  }
0xb0: {  	[hbm4b:s1+s2] =	stream.linear.scatter @!p0 [tilespmem:s3], [sflag:$0x1], $0x80, $0x38;
	[tilespmem:$0x180] =	vst v63  }
0xb1: {  	_ =	swait.ge @!p0 [sflag:s4], $0x80  }
0xb2: {  	[sflag:s4] =	ssyncset.done @!p0 $0x0  }
0xb3: {  	[sflag:s4] =	ssyncadd.s32 @!p0 $0xFFFFFF80  }
0xb4: {  	_ =	sfence.sel $0x180000  }
0xb5: {  	[bflag:$0x0] =	sbarrier.arrive $0xFFFF  }
0xb6: {  	p0 =	sne.s32 s5, $0x0;
	_ =	strace $0x90000047  }
0xb7: {  	s0 =	sadd.s32 @!p0 $0x100000, s0;
	[bflag:$0x2] =	sbarrier.arrive $0xFFFF  }
0xb8: {  	[sflag:s0] =	ssyncadd.tile.s32 @!p0 $0x1;
	_ =	shalt  }
.Lfunc_end2:
_tile_overlayer_lowered:
.L_overlay_start_2:
0xb9: {  	(tag) =	ssettag $0x2  }
0xba: {  	s0 =	rddreg [dreg:$0x0];
	s2 =	stileid.u32  }
0xbb: {  	s1 =	rddreg [dreg:$0x1];
	p0 =	sne.s32 s2, $0x0  }
0xbc: {  	s3 =	rddreg [dreg:$0x2];
	[bflag:$0x3] =	sbarrier.arrive $0xFFFF;
	s2 =	simm.s32 @!p0 $0x1C01  }
0xbd: {  	[timem:s3], [sflag:s2] =	dma.local @!p0 [hbm:s0], s1  }
0xbe: {  	s0 =	simm.s32 @!p0 $0x1  }
0xbf: {  	_ =	swait.ge @!p0 [sflag:s0], s1  }
0xc0: {  	s1 =	ssub.s32 @!p0 $0x0, s1;
	[sflag:s0] =	ssyncset.done @!p0 $0x0  }
0xc1: {  	[sflag:s0] =	ssyncadd.s32 @!p0 s1  }
0xc2: {  	[bflag:$0x3] =	sbarrier.arrive $0xFFFF  }
0xc3: {  	_ =	shalt  }

</sc_bundles>
